<compile_context>
chip_gen: v7x
topology: tpu7x:2x2x1
jax: 0.10.2.dev20260603
libtpu: 0.0.44.dev20260713+nightly
codegen_flags: <defaults>
</compile_context>

<pallas_src>
import jax
import jax.numpy as jnp
from jax import lax
from jax.experimental import pallas as pl
from jax.experimental.pallas import tpu as pltpu
from jax.experimental.pallas import tpu_sc as plsc

_KN = 8192
_D = 32
_L = 16
_NS = 16
_CHUNK = _KN // _NS
_NG = _CHUNK // _L
_NC = _CHUNK // 128
_RSTRIDE = 64 * 1024
_NITER = 1000
_A_START = 0.05
_A_END = 0.01
_THR = 0.5
_BIG = 3.0e38
_IBIG = 2**31 - 1


def _som_body(nodes_h, nhbr_h, xi_h, a16_h, out_h,
              chunk_v, xi_v, a_v, idx_v, col_v, am_v,
              shmin, shidx, red_min_v, red_idx_v, res_v, resi_v,
              sem1, sem2):
    sid = lax.axis_index("s")
    base = sid * _CHUNK
    iota = lax.iota(jnp.int32, _L)

    pltpu.sync_copy(xi_h, xi_v)
    pltpu.sync_copy(a16_h, a_v)

    def stage_in(t, _):
        r = t >> 2
        c = t & 3
        pltpu.async_copy(
            nodes_h.at[pl.ds(r * _RSTRIDE + (sid * _NC + c) * 1024, 1024)],
            chunk_v.at[pl.ds(t * 1024, 1024)], sem1)
        return 0
    lax.fori_loop(0, 16, stage_in, 0)
    pltpu.make_async_copy(nodes_h.at[pl.ds(0, _CHUNK * _D)], chunk_v, sem1).wait()

    xh = [xi_v[pl.ds(h * _L, _L)] for h in range(_D // _L)]
    xds = [jnp.full((_L,), xh[d // _L][d % _L], jnp.float32) for d in range(_D)]

    def group_step(m, carry):
        vmin, vidx = carry
        dyn = (m >> 3) * 1024 + (m & 7) * _L
        acc = jnp.zeros((_L,), jnp.float32)
        for d in range(_D):
            nv = chunk_v[pl.ds(dyn + (d >> 3) * 4096 + (d & 7) * 128, _L)]
            diff = nv - xds[d]
            acc = acc + diff * diff
        better = acc < vmin
        vmin = jnp.where(better, acc, vmin)
        vidx = jnp.where(better, base + m * _L + iota, vidx)
        return vmin, vidx

    vmin0 = jnp.full((_L,), _BIG, jnp.float32)
    vidx0 = jnp.zeros((_L,), jnp.int32)
    vmin, vidx = lax.fori_loop(0, _NG, group_step, (vmin0, vidx0))

    lmin = jnp.min(vmin)
    lidx = jnp.min(jnp.where(vmin == lmin, vidx, _IBIG))

    res_v[...] = jnp.full((_L,), lmin, jnp.float32)
    resi_v[...] = jnp.full((_L,), lidx, jnp.int32)
    pltpu.sync_copy(res_v, shmin.at[pl.ds(sid * _L, _L)])
    pltpu.sync_copy(resi_v, shidx.at[pl.ds(sid * _L, _L)])
    plsc.subcore_barrier()
    pltpu.sync_copy(shmin, red_min_v)
    pltpu.sync_copy(shidx, red_idx_v)

    def minstep(w, carry):
        return jnp.minimum(carry, red_min_v[pl.ds(w * _L, _L)])
    gmin = lax.fori_loop(1, _NS, minstep, red_min_v[pl.ds(0, _L)])

    def idxstep(w, carry):
        rm = red_min_v[pl.ds(w * _L, _L)]
        ri = red_idx_v[pl.ds(w * _L, _L)]
        return jnp.minimum(carry, jnp.where(rm == gmin, ri, _IBIG))
    near = lax.fori_loop(0, _NS, idxstep, jnp.full((_L,), _IBIG, jnp.int32))

    ncol = ((near >> 7) << 10) + (near & 127)

    def mkidx(m, _):
        n = base + m * _L + iota
        idx_v[m >> 3, pl.ds((m & 7) * _L, _L)] = ((n >> 3) << 16) + ((n & 7) << 7) + ncol
        return 0
    lax.fori_loop(0, _NG, mkidx, 0)

    gathers = [pltpu.async_copy(nhbr_h.at[idx_v.at[c]], col_v.at[c], sem2)
               for c in range(_NC)]
    for cp in gathers:
        cp.wait()

    alpha_vec = a_v[...]

    def mkam(m, _):
        cv = col_v[m >> 3, pl.ds((m & 7) * _L, _L)]
        am_v[pl.ds(m * _L, _L)] = jnp.where(cv <= _THR, alpha_vec, 0.0)
        return 0
    lax.fori_loop(0, _NG, mkam, 0)

    def upd(m, _):
        dyn = (m >> 3) * 1024 + (m & 7) * _L
        amg = am_v[pl.ds(m * _L, _L)]
        for d in range(_D):
            off = dyn + (d >> 3) * 4096 + (d & 7) * 128
            v = chunk_v[pl.ds(off, _L)]
            chunk_v[pl.ds(off, _L)] = v + (xds[d] - v) * amg
        return 0
    lax.fori_loop(0, _NG, upd, 0)

    def stage_out(t, _):
        r = t >> 2
        c = t & 3
        pltpu.async_copy(
            chunk_v.at[pl.ds(t * 1024, 1024)],
            out_h.at[pl.ds(r * _RSTRIDE + (sid * _NC + c) * 1024, 1024)], sem1)
        return 0
    lax.fori_loop(0, 16, stage_out, 0)
    pltpu.make_async_copy(chunk_v, out_h.at[pl.ds(0, _CHUNK * _D)], sem1).wait()


_som_call = pl.kernel(
    _som_body,
    out_type=jax.ShapeDtypeStruct((_KN * _D,), jnp.float32),
    mesh=plsc.VectorSubcoreMesh(core_axis_name="c", subcore_axis_name="s",
                                num_cores=1, num_subcores=_NS),
    compiler_params=pltpu.CompilerParams(needs_layout_passes=False,
                                         use_tc_tiling_on_sc=False),
    scratch_types=[
        pltpu.VMEM((_CHUNK * _D,), jnp.float32),
        pltpu.VMEM((_D,), jnp.float32),
        pltpu.VMEM((_L,), jnp.float32),
        pltpu.VMEM((_NC, 128), jnp.int32),
        pltpu.VMEM((_NC, 128), jnp.float32),
        pltpu.VMEM((_CHUNK,), jnp.float32),
        pltpu.VMEM_SHARED((_NS * _L,), jnp.float32),
        pltpu.VMEM_SHARED((_NS * _L,), jnp.int32),
        pltpu.VMEM((_NS * _L,), jnp.float32),
        pltpu.VMEM((_NS * _L,), jnp.int32),
        pltpu.VMEM((_L,), jnp.float32),
        pltpu.VMEM((_L,), jnp.int32),
        pltpu.SemaphoreType.DMA,
        pltpu.SemaphoreType.DMA,
    ],
)


def kernel(data, nodes, nhbrdist, rand_indices, k):
    i = rand_indices[k]
    alpha = jnp.float32(_A_START) - jnp.float32(_A_START - _A_END) * (k / _NITER)
    xi = data[i]
    a16 = jnp.full((_L,), alpha, jnp.float32)
    nhbr_lin = nhbrdist.reshape(1024, 8, 64, 128).transpose(0, 2, 1, 3).reshape(-1)
    nodes_lin = nodes.T.reshape(4, 8, 64, 128).transpose(0, 2, 1, 3).reshape(-1)
    out_lin = _som_call(nodes_lin, nhbr_lin, xi, a16)
    out_t = out_lin.reshape(4, 64, 8, 128).transpose(0, 2, 1, 3).reshape(_D, _KN)
    return out_t.T

# --- scband reference (transcript-rebuilt; emitter-appended) ---
"""Pipeline reference for scband-torch-som-7164005449814 (READ-ONLY COPY).

The authoritative reference and input builder live on the scoring server;
editing this copy changes nothing except your own understanding.
"""

import jax, jax.numpy as jnp
import numpy as np

N = 100000
D = 32
K_NODES = 8192
NITER = 1000
THRESHOLD = 0.5
THRESHOLD_CUTOFF = 0.5
ALPHA_START = 0.05
ALPHA_END = 0.01


def setup_inputs(seed: int = 0) -> dict:
    key = jax.random.key(seed)
    k1, k2, k3, k4 = jax.random.split(key, 4)
    data = jax.random.normal(k1, (N, D), dtype=jnp.float32)
    nodes = jax.random.normal(k2, (K_NODES, D), dtype=jnp.float32)
    nhbrdist = jax.random.uniform(k3, (K_NODES, K_NODES), dtype=jnp.float32)
    rand_indices = jax.random.randint(k4, (NITER,), 0, N, dtype=jnp.int32)
    k = 500
    return {"data": data, "nodes": nodes, "nhbrdist": nhbrdist, "rand_indices": rand_indices, "k": k}


def reference(data, nodes, nhbrdist, rand_indices, k):
    # i = self.rand_indices[k]
    i = rand_indices[k]
    xi = data[i]
    # dist = eucl_dist(data[i], nodes)
    dist = jnp.sqrt(((xi[None, :] - nodes) ** 2).sum(1))
    nearest = jnp.argmin(dist)
    # threshold = max(threshold, threshold_cutoff)
    thr = jnp.maximum(jnp.float32(THRESHOLD), jnp.float32(THRESHOLD_CUTOFF))
    alpha = ALPHA_START - (ALPHA_START - ALPHA_END) * (k / NITER)
    # to_update = index_select(nhbrdist, 1, nearest).flatten() <= threshold
    col = jnp.take(nhbrdist, nearest, axis=1)
    to_update = col <= thr
    # tmp = data[i] - nodes[to_update]; nodes[to_update] += tmp * alpha
    tmp = xi[None, :] - nodes
    nodes_new = jnp.where(to_update[:, None], nodes + tmp * alpha, nodes)
    return nodes_new

if __name__ == "__main__":
    import jax
    _d = setup_inputs()
    print(jax.jit(kernel)(*tuple(_d.values())))

</pallas_src>

<mosaic_0001>
#map = affine_map<(d0, d1) -> (0)>
module attributes {stable_mosaic.version = 14 : i64} {
  func.func @_som_body(%arg0: i32, %arg1: i32, %arg2: memref<262144xf32, #tpu.memory_space<hbm>>, %arg3: memref<67108864xf32, #tpu.memory_space<hbm>>, %arg4: memref<32xf32, #tpu.memory_space<hbm>>, %arg5: memref<16xf32, #tpu.memory_space<hbm>>, %arg6: memref<262144xf32, #tpu.memory_space<hbm>>, %arg7: memref<16384xf32, #tpu.memory_space<vmem>>, %arg8: memref<32xf32, #tpu.memory_space<vmem>>, %arg9: memref<16xf32, #tpu.memory_space<vmem>>, %arg10: memref<4x128xi32, #tpu.memory_space<vmem>>, %arg11: memref<4x128xf32, #tpu.memory_space<vmem>>, %arg12: memref<512xf32, #tpu.memory_space<vmem>>, %arg13: memref<256xf32, #tpu.memory_space<vmem_shared>>, %arg14: memref<256xi32, #tpu.memory_space<vmem_shared>>, %arg15: memref<256xf32, #tpu.memory_space<vmem>>, %arg16: memref<256xi32, #tpu.memory_space<vmem>>, %arg17: memref<16xf32, #tpu.memory_space<vmem>>, %arg18: memref<16xi32, #tpu.memory_space<vmem>>, %arg19: memref<!tpu.dma_semaphore, #tpu.memory_space<semaphore_mem>>, %arg20: memref<!tpu.dma_semaphore, #tpu.memory_space<semaphore_mem>>) attributes {dimension_semantics = [#tpu.dimension_semantics<core_parallel>, #tpu.dimension_semantics<subcore_parallel>], iteration_bounds = array<i64: 1, 16>, scalar_prefetch = 0 : i64, scratch_operands = 14 : i64, tpu.core_type = #tpu.core_type<sc_vector_subcore>, window_params = [{transform_indices = #map}, {transform_indices = #map}, {transform_indices = #map}, {transform_indices = #map}, {transform_indices = #map}]} {
    %mul3A = arith.constant 512 : i32
    %mul3A_0 = arith.muli %arg1, %mul3A : i32
    %iota3A = tpu.iota {dimensions = array<i32: 0>} : vector<16xi32>
    "tpu.region"() ({
      %run_scoped3A = tpu.sem_alloc : memref<!tpu.dma_semaphore, #tpu.memory_space<semaphore_mem>>
      tpu.enqueue_dma source(%arg4 : memref<32xf32, #tpu.memory_space<hbm>>) target(%arg8 : memref<32xf32, #tpu.memory_space<vmem>>) target_semaphore(%run_scoped3A : memref<!tpu.dma_semaphore, #tpu.memory_space<semaphore_mem>>)
      tpu.wait_dma2 semaphore(%run_scoped3A : memref<!tpu.dma_semaphore, #tpu.memory_space<semaphore_mem>>) src(%arg4 : memref<32xf32, #tpu.memory_space<hbm>>) dst(%arg8 : memref<32xf32, #tpu.memory_space<vmem>>)
      tpu.yield
    }) : () -> ()
    "tpu.region"() ({
      %run_scoped3A = tpu.sem_alloc : memref<!tpu.dma_semaphore, #tpu.memory_space<semaphore_mem>>
      tpu.enqueue_dma source(%arg5 : memref<16xf32, #tpu.memory_space<hbm>>) target(%arg9 : memref<16xf32, #tpu.memory_space<vmem>>) target_semaphore(%run_scoped3A : memref<!tpu.dma_semaphore, #tpu.memory_space<semaphore_mem>>)
      tpu.wait_dma2 semaphore(%run_scoped3A : memref<!tpu.dma_semaphore, #tpu.memory_space<semaphore_mem>>) src(%arg5 : memref<16xf32, #tpu.memory_space<hbm>>) dst(%arg9 : memref<16xf32, #tpu.memory_space<vmem>>)
      tpu.yield
    }) : () -> ()
    %scan3A = arith.constant 0 : i32
    %scan3A_1 = arith.constant 0 : i32
    %scan3A_2 = arith.constant 16 : i32
    %scan3A_3 = arith.addi %scan3A_1, %scan3A_2 : i32
    %scan3A_4 = arith.constant 1 : i32
    %scan3A_5 = scf.for %scan3A_273 = %scan3A_1 to %scan3A_3 step %scan3A_4 iter_args(%scan3A_274 = %scan3A) -> (i32)  : i32 {
      %shift_right_arithmetic3A_275 = arith.constant 2 : i32
      %shift_right_arithmetic3A_276 = arith.shrsi %scan3A_273, %shift_right_arithmetic3A_275 : i32
      %and3A_277 = arith.constant 3 : i32
      %and3A_278 = arith.andi %scan3A_273, %and3A_277 : i32
      %mul3A_279 = arith.constant 65536 : i32
      %mul3A_280 = arith.muli %shift_right_arithmetic3A_276, %mul3A_279 : i32
      %mul3A_281 = arith.constant 4 : i32
      %mul3A_282 = arith.muli %arg1, %mul3A_281 : i32
      %add3A_283 = arith.addi %mul3A_282, %and3A_278 : i32
      %mul3A_284 = arith.constant 1024 : i32
      %mul3A_285 = arith.muli %add3A_283, %mul3A_284 : i32
      %add3A_286 = arith.addi %mul3A_280, %mul3A_285 : i32
      %mul3A_287 = arith.constant 1024 : i32
      %mul3A_288 = arith.muli %scan3A_273, %mul3A_287 : i32
      %dma_start3A_289 = tpu.memref_slice %arg7[%mul3A_288] : memref<16384xf32, #tpu.memory_space<vmem>> -> memref<1024xf32, #tpu.memory_space<vmem>>
      %dma_start3A_290 = tpu.memref_slice %arg2[%add3A_286] : memref<262144xf32, #tpu.memory_space<hbm>> -> memref<1024xf32, #tpu.memory_space<hbm>>
      %dma_start3A_291 = tpu.memref_slice %arg7[%mul3A_288] : memref<16384xf32, #tpu.memory_space<vmem>> -> memref<1024xf32, #tpu.memory_space<vmem>>
      %dma_start3A_292 = tpu.memref_slice %arg2[%add3A_286] : memref<262144xf32, #tpu.memory_space<hbm>> -> memref<1024xf32, #tpu.memory_space<hbm>>
      tpu.enqueue_dma source(%dma_start3A_292 : memref<1024xf32, #tpu.memory_space<hbm>>) target(%dma_start3A_291 : memref<1024xf32, #tpu.memory_space<vmem>>) target_semaphore(%arg19 : memref<!tpu.dma_semaphore, #tpu.memory_space<semaphore_mem>>)
      %scan3A_293 = arith.constant 0 : i32
      scf.yield %scan3A_293 : i32
    }
    %scan3A_6 = arith.constant 16 : i32
    %dma_wait3A = arith.constant 0 : i32
    %dma_wait3A_7 = tpu.memref_slice %arg2[%dma_wait3A] : memref<262144xf32, #tpu.memory_space<hbm>> -> memref<16384xf32, #tpu.memory_space<hbm>>
    %dma_wait3A_8 = arith.constant 0 : i32
    %dma_wait3A_9 = tpu.memref_slice %arg2[%dma_wait3A_8] : memref<262144xf32, #tpu.memory_space<hbm>> -> memref<16384xf32, #tpu.memory_space<hbm>>
    tpu.wait_dma2 semaphore(%arg19 : memref<!tpu.dma_semaphore, #tpu.memory_space<semaphore_mem>>) src(%dma_wait3A_9 : memref<16384xf32, #tpu.memory_space<hbm>>) dst(%arg7 : memref<16384xf32, #tpu.memory_space<vmem>>)
    %get3A = arith.constant 0 : index
    %get3A_10 = tpu.vector_load %arg8[%get3A] {strides = array<i32>} : memref<32xf32, #tpu.memory_space<vmem>>, vector<16xf32>,
    %get3A_11 = arith.constant 16 : index
    %get3A_12 = tpu.vector_load %arg8[%get3A_11] {strides = array<i32>} : memref<32xf32, #tpu.memory_space<vmem>>, vector<16xf32>,
    %slice3A = vector.extract_strided_slice %get3A_10 {offsets = [0], sizes = [1], strides = [1]} : vector<16xf32> to vector<1xf32>
    %squeeze3A = vector.extract %slice3A[0] : f32 from vector<1xf32>
    %broadcast_in_dim3A = vector.broadcast %squeeze3A : f32 to vector<16xf32>
    %slice3A_13 = vector.extract_strided_slice %get3A_10 {offsets = [1], sizes = [1], strides = [1]} : vector<16xf32> to vector<1xf32>
    %squeeze3A_14 = vector.extract %slice3A_13[0] : f32 from vector<1xf32>
    %broadcast_in_dim3A_15 = vector.broadcast %squeeze3A_14 : f32 to vector<16xf32>
    %slice3A_16 = vector.extract_strided_slice %get3A_10 {offsets = [2], sizes = [1], strides = [1]} : vector<16xf32> to vector<1xf32>
    %squeeze3A_17 = vector.extract %slice3A_16[0] : f32 from vector<1xf32>
    %broadcast_in_dim3A_18 = vector.broadcast %squeeze3A_17 : f32 to vector<16xf32>
    %slice3A_19 = vector.extract_strided_slice %get3A_10 {offsets = [3], sizes = [1], strides = [1]} : vector<16xf32> to vector<1xf32>
    %squeeze3A_20 = vector.extract %slice3A_19[0] : f32 from vector<1xf32>
    %broadcast_in_dim3A_21 = vector.broadcast %squeeze3A_20 : f32 to vector<16xf32>
    %slice3A_22 = vector.extract_strided_slice %get3A_10 {offsets = [4], sizes = [1], strides = [1]} : vector<16xf32> to vector<1xf32>
    %squeeze3A_23 = vector.extract %slice3A_22[0] : f32 from vector<1xf32>
    %broadcast_in_dim3A_24 = vector.broadcast %squeeze3A_23 : f32 to vector<16xf32>
    %slice3A_25 = vector.extract_strided_slice %get3A_10 {offsets = [5], sizes = [1], strides = [1]} : vector<16xf32> to vector<1xf32>
    %squeeze3A_26 = vector.extract %slice3A_25[0] : f32 from vector<1xf32>
    %broadcast_in_dim3A_27 = vector.broadcast %squeeze3A_26 : f32 to vector<16xf32>
    %slice3A_28 = vector.extract_strided_slice %get3A_10 {offsets = [6], sizes = [1], strides = [1]} : vector<16xf32> to vector<1xf32>
    %squeeze3A_29 = vector.extract %slice3A_28[0] : f32 from vector<1xf32>
    %broadcast_in_dim3A_30 = vector.broadcast %squeeze3A_29 : f32 to vector<16xf32>
    %slice3A_31 = vector.extract_strided_slice %get3A_10 {offsets = [7], sizes = [1], strides = [1]} : vector<16xf32> to vector<1xf32>
    %squeeze3A_32 = vector.extract %slice3A_31[0] : f32 from vector<1xf32>
    %broadcast_in_dim3A_33 = vector.broadcast %squeeze3A_32 : f32 to vector<16xf32>
    %slice3A_34 = vector.extract_strided_slice %get3A_10 {offsets = [8], sizes = [1], strides = [1]} : vector<16xf32> to vector<1xf32>
    %squeeze3A_35 = vector.extract %slice3A_34[0] : f32 from vector<1xf32>
    %broadcast_in_dim3A_36 = vector.broadcast %squeeze3A_35 : f32 to vector<16xf32>
    %slice3A_37 = vector.extract_strided_slice %get3A_10 {offsets = [9], sizes = [1], strides = [1]} : vector<16xf32> to vector<1xf32>
    %squeeze3A_38 = vector.extract %slice3A_37[0] : f32 from vector<1xf32>
    %broadcast_in_dim3A_39 = vector.broadcast %squeeze3A_38 : f32 to vector<16xf32>
    %slice3A_40 = vector.extract_strided_slice %get3A_10 {offsets = [10], sizes = [1], strides = [1]} : vector<16xf32> to vector<1xf32>
    %squeeze3A_41 = vector.extract %slice3A_40[0] : f32 from vector<1xf32>
    %broadcast_in_dim3A_42 = vector.broadcast %squeeze3A_41 : f32 to vector<16xf32>
    %slice3A_43 = vector.extract_strided_slice %get3A_10 {offsets = [11], sizes = [1], strides = [1]} : vector<16xf32> to vector<1xf32>
    %squeeze3A_44 = vector.extract %slice3A_43[0] : f32 from vector<1xf32>
    %broadcast_in_dim3A_45 = vector.broadcast %squeeze3A_44 : f32 to vector<16xf32>
    %slice3A_46 = vector.extract_strided_slice %get3A_10 {offsets = [12], sizes = [1], strides = [1]} : vector<16xf32> to vector<1xf32>
    %squeeze3A_47 = vector.extract %slice3A_46[0] : f32 from vector<1xf32>
    %broadcast_in_dim3A_48 = vector.broadcast %squeeze3A_47 : f32 to vector<16xf32>
    %slice3A_49 = vector.extract_strided_slice %get3A_10 {offsets = [13], sizes = [1], strides = [1]} : vector<16xf32> to vector<1xf32>
    %squeeze3A_50 = vector.extract %slice3A_49[0] : f32 from vector<1xf32>
    %broadcast_in_dim3A_51 = vector.broadcast %squeeze3A_50 : f32 to vector<16xf32>
    %slice3A_52 = vector.extract_strided_slice %get3A_10 {offsets = [14], sizes = [1], strides = [1]} : vector<16xf32> to vector<1xf32>
    %squeeze3A_53 = vector.extract %slice3A_52[0] : f32 from vector<1xf32>
    %broadcast_in_dim3A_54 = vector.broadcast %squeeze3A_53 : f32 to vector<16xf32>
    %slice3A_55 = vector.extract_strided_slice %get3A_10 {offsets = [15], sizes = [1], strides = [1]} : vector<16xf32> to vector<1xf32>
    %squeeze3A_56 = vector.extract %slice3A_55[0] : f32 from vector<1xf32>
    %broadcast_in_dim3A_57 = vector.broadcast %squeeze3A_56 : f32 to vector<16xf32>
    %slice3A_58 = vector.extract_strided_slice %get3A_12 {offsets = [0], sizes = [1], strides = [1]} : vector<16xf32> to vector<1xf32>
    %squeeze3A_59 = vector.extract %slice3A_58[0] : f32 from vector<1xf32>
    %broadcast_in_dim3A_60 = vector.broadcast %squeeze3A_59 : f32 to vector<16xf32>
    %slice3A_61 = vector.extract_strided_slice %get3A_12 {offsets = [1], sizes = [1], strides = [1]} : vector<16xf32> to vector<1xf32>
    %squeeze3A_62 = vector.extract %slice3A_61[0] : f32 from vector<1xf32>
    %broadcast_in_dim3A_63 = vector.broadcast %squeeze3A_62 : f32 to vector<16xf32>
    %slice3A_64 = vector.extract_strided_slice %get3A_12 {offsets = [2], sizes = [1], strides = [1]} : vector<16xf32> to vector<1xf32>
    %squeeze3A_65 = vector.extract %slice3A_64[0] : f32 from vector<1xf32>
    %broadcast_in_dim3A_66 = vector.broadcast %squeeze3A_65 : f32 to vector<16xf32>
    %slice3A_67 = vector.extract_strided_slice %get3A_12 {offsets = [3], sizes = [1], strides = [1]} : vector<16xf32> to vector<1xf32>
    %squeeze3A_68 = vector.extract %slice3A_67[0] : f32 from vector<1xf32>
    %broadcast_in_dim3A_69 = vector.broadcast %squeeze3A_68 : f32 to vector<16xf32>
    %slice3A_70 = vector.extract_strided_slice %get3A_12 {offsets = [4], sizes = [1], strides = [1]} : vector<16xf32> to vector<1xf32>
    %squeeze3A_71 = vector.extract %slice3A_70[0] : f32 from vector<1xf32>
    %broadcast_in_dim3A_72 = vector.broadcast %squeeze3A_71 : f32 to vector<16xf32>
    %slice3A_73 = vector.extract_strided_slice %get3A_12 {offsets = [5], sizes = [1], strides = [1]} : vector<16xf32> to vector<1xf32>
    %squeeze3A_74 = vector.extract %slice3A_73[0] : f32 from vector<1xf32>
    %broadcast_in_dim3A_75 = vector.broadcast %squeeze3A_74 : f32 to vector<16xf32>
    %slice3A_76 = vector.extract_strided_slice %get3A_12 {offsets = [6], sizes = [1], strides = [1]} : vector<16xf32> to vector<1xf32>
    %squeeze3A_77 = vector.extract %slice3A_76[0] : f32 from vector<1xf32>
    %broadcast_in_dim3A_78 = vector.broadcast %squeeze3A_77 : f32 to vector<16xf32>
    %slice3A_79 = vector.extract_strided_slice %get3A_12 {offsets = [7], sizes = [1], strides = [1]} : vector<16xf32> to vector<1xf32>
    %squeeze3A_80 = vector.extract %slice3A_79[0] : f32 from vector<1xf32>
    %broadcast_in_dim3A_81 = vector.broadcast %squeeze3A_80 : f32 to vector<16xf32>
    %slice3A_82 = vector.extract_strided_slice %get3A_12 {offsets = [8], sizes = [1], strides = [1]} : vector<16xf32> to vector<1xf32>
    %squeeze3A_83 = vector.extract %slice3A_82[0] : f32 from vector<1xf32>
    %broadcast_in_dim3A_84 = vector.broadcast %squeeze3A_83 : f32 to vector<16xf32>
    %slice3A_85 = vector.extract_strided_slice %get3A_12 {offsets = [9], sizes = [1], strides = [1]} : vector<16xf32> to vector<1xf32>
    %squeeze3A_86 = vector.extract %slice3A_85[0] : f32 from vector<1xf32>
    %broadcast_in_dim3A_87 = vector.broadcast %squeeze3A_86 : f32 to vector<16xf32>
    %slice3A_88 = vector.extract_strided_slice %get3A_12 {offsets = [10], sizes = [1], strides = [1]} : vector<16xf32> to vector<1xf32>
    %squeeze3A_89 = vector.extract %slice3A_88[0] : f32 from vector<1xf32>
    %broadcast_in_dim3A_90 = vector.broadcast %squeeze3A_89 : f32 to vector<16xf32>
    %slice3A_91 = vector.extract_strided_slice %get3A_12 {offsets = [11], sizes = [1], strides = [1]} : vector<16xf32> to vector<1xf32>
    %squeeze3A_92 = vector.extract %slice3A_91[0] : f32 from vector<1xf32>
    %broadcast_in_dim3A_93 = vector.broadcast %squeeze3A_92 : f32 to vector<16xf32>
    %slice3A_94 = vector.extract_strided_slice %get3A_12 {offsets = [12], sizes = [1], strides = [1]} : vector<16xf32> to vector<1xf32>
    %squeeze3A_95 = vector.extract %slice3A_94[0] : f32 from vector<1xf32>
    %broadcast_in_dim3A_96 = vector.broadcast %squeeze3A_95 : f32 to vector<16xf32>
    %slice3A_97 = vector.extract_strided_slice %get3A_12 {offsets = [13], sizes = [1], strides = [1]} : vector<16xf32> to vector<1xf32>
    %squeeze3A_98 = vector.extract %slice3A_97[0] : f32 from vector<1xf32>
    %broadcast_in_dim3A_99 = vector.broadcast %squeeze3A_98 : f32 to vector<16xf32>
    %slice3A_100 = vector.extract_strided_slice %get3A_12 {offsets = [14], sizes = [1], strides = [1]} : vector<16xf32> to vector<1xf32>
    %squeeze3A_101 = vector.extract %slice3A_100[0] : f32 from vector<1xf32>
    %broadcast_in_dim3A_102 = vector.broadcast %squeeze3A_101 : f32 to vector<16xf32>
    %slice3A_103 = vector.extract_strided_slice %get3A_12 {offsets = [15], sizes = [1], strides = [1]} : vector<16xf32> to vector<1xf32>
    %squeeze3A_104 = vector.extract %slice3A_103[0] : f32 from vector<1xf32>
    %broadcast_in_dim3A_105 = vector.broadcast %squeeze3A_104 : f32 to vector<16xf32>
    %broadcast_in_dim3A_106 = arith.constant 3.000000e+38 : f32
    %broadcast_in_dim3A_107 = vector.broadcast %broadcast_in_dim3A_106 : f32 to vector<16xf32>
    %broadcast_in_dim3A_108 = arith.constant 0 : i32
    %broadcast_in_dim3A_109 = vector.broadcast %broadcast_in_dim3A_108 : i32 to vector<16xi32>
    %scan3A_110 = arith.constant 0 : i32
    %scan3A_111 = arith.constant 32 : i32
    %scan3A_112 = arith.addi %scan3A_110, %scan3A_111 : i32
    %scan3A_113 = arith.constant 1 : i32
    %scan3A_114:2 = scf.for %scan3A_273 = %scan3A_110 to %scan3A_112 step %scan3A_113 iter_args(%scan3A_274 = %broadcast_in_dim3A_107, %scan3A_275 = %broadcast_in_dim3A_109) -> (vector<16xf32>, vector<16xi32>)  : i32 {
      %shift_right_arithmetic3A_276 = arith.constant 3 : i32
      %shift_right_arithmetic3A_277 = arith.shrsi %scan3A_273, %shift_right_arithmetic3A_276 : i32
      %mul3A_278 = arith.constant 1024 : i32
      %mul3A_279 = arith.muli %shift_right_arithmetic3A_277, %mul3A_278 : i32
      %and3A_280 = arith.constant 7 : i32
      %and3A_281 = arith.andi %scan3A_273, %and3A_280 : i32
      %mul3A_282 = arith.constant 16 : i32
      %mul3A_283 = arith.muli %and3A_281, %mul3A_282 : i32
      %add3A_284 = arith.addi %mul3A_279, %mul3A_283 : i32
      %broadcast_in_dim3A_285 = arith.constant 0.000000e+00 : f32
      %broadcast_in_dim3A_286 = vector.broadcast %broadcast_in_dim3A_285 : f32 to vector<16xf32>
      %add3A_287 = arith.constant 0 : i32
      %add3A_288 = arith.addi %add3A_284, %add3A_287 : i32
      %add3A_289 = arith.constant 0 : i32
      %add3A_290 = arith.addi %add3A_288, %add3A_289 : i32
      %get3A_291 = arith.index_cast %add3A_290 : i32 to index
      %get3A_292 = tpu.vector_load %arg7[%get3A_291] {strides = array<i32>} : memref<16384xf32, #tpu.memory_space<vmem>>, vector<16xf32>,
      %sub3A = arith.subf %get3A_292, %broadcast_in_dim3A : vector<16xf32>
      %mul3A_293 = arith.mulf %sub3A, %sub3A : vector<16xf32>
      %add3A_294 = arith.addf %broadcast_in_dim3A_286, %mul3A_293 : vector<16xf32>
      %add3A_295 = arith.constant 0 : i32
      %add3A_296 = arith.addi %add3A_284, %add3A_295 : i32
      %add3A_297 = arith.constant 128 : i32
      %add3A_298 = arith.addi %add3A_296, %add3A_297 : i32
      %get3A_299 = arith.index_cast %add3A_298 : i32 to index
      %get3A_300 = tpu.vector_load %arg7[%get3A_299] {strides = array<i32>} : memref<16384xf32, #tpu.memory_space<vmem>>, vector<16xf32>,
      %sub3A_301 = arith.subf %get3A_300, %broadcast_in_dim3A_15 : vector<16xf32>
      %mul3A_302 = arith.mulf %sub3A_301, %sub3A_301 : vector<16xf32>
      %add3A_303 = arith.addf %add3A_294, %mul3A_302 : vector<16xf32>
      %add3A_304 = arith.constant 0 : i32
      %add3A_305 = arith.addi %add3A_284, %add3A_304 : i32
      %add3A_306 = arith.constant 256 : i32
      %add3A_307 = arith.addi %add3A_305, %add3A_306 : i32
      %get3A_308 = arith.index_cast %add3A_307 : i32 to index
      %get3A_309 = tpu.vector_load %arg7[%get3A_308] {strides = array<i32>} : memref<16384xf32, #tpu.memory_space<vmem>>, vector<16xf32>,
      %sub3A_310 = arith.subf %get3A_309, %broadcast_in_dim3A_18 : vector<16xf32>
      %mul3A_311 = arith.mulf %sub3A_310, %sub3A_310 : vector<16xf32>
      %add3A_312 = arith.addf %add3A_303, %mul3A_311 : vector<16xf32>
      %add3A_313 = arith.constant 0 : i32
      %add3A_314 = arith.addi %add3A_284, %add3A_313 : i32
      %add3A_315 = arith.constant 384 : i32
      %add3A_316 = arith.addi %add3A_314, %add3A_315 : i32
      %get3A_317 = arith.index_cast %add3A_316 : i32 to index
      %get3A_318 = tpu.vector_load %arg7[%get3A_317] {strides = array<i32>} : memref<16384xf32, #tpu.memory_space<vmem>>, vector<16xf32>,
      %sub3A_319 = arith.subf %get3A_318, %broadcast_in_dim3A_21 : vector<16xf32>
      %mul3A_320 = arith.mulf %sub3A_319, %sub3A_319 : vector<16xf32>
      %add3A_321 = arith.addf %add3A_312, %mul3A_320 : vector<16xf32>
      %add3A_322 = arith.constant 0 : i32
      %add3A_323 = arith.addi %add3A_284, %add3A_322 : i32
      %add3A_324 = arith.constant 512 : i32
      %add3A_325 = arith.addi %add3A_323, %add3A_324 : i32
      %get3A_326 = arith.index_cast %add3A_325 : i32 to index
      %get3A_327 = tpu.vector_load %arg7[%get3A_326] {strides = array<i32>} : memref<16384xf32, #tpu.memory_space<vmem>>, vector<16xf32>,
      %sub3A_328 = arith.subf %get3A_327, %broadcast_in_dim3A_24 : vector<16xf32>
      %mul3A_329 = arith.mulf %sub3A_328, %sub3A_328 : vector<16xf32>
      %add3A_330 = arith.addf %add3A_321, %mul3A_329 : vector<16xf32>
      %add3A_331 = arith.constant 0 : i32
      %add3A_332 = arith.addi %add3A_284, %add3A_331 : i32
      %add3A_333 = arith.constant 640 : i32
      %add3A_334 = arith.addi %add3A_332, %add3A_333 : i32
      %get3A_335 = arith.index_cast %add3A_334 : i32 to index
      %get3A_336 = tpu.vector_load %arg7[%get3A_335] {strides = array<i32>} : memref<16384xf32, #tpu.memory_space<vmem>>, vector<16xf32>,
      %sub3A_337 = arith.subf %get3A_336, %broadcast_in_dim3A_27 : vector<16xf32>
      %mul3A_338 = arith.mulf %sub3A_337, %sub3A_337 : vector<16xf32>
      %add3A_339 = arith.addf %add3A_330, %mul3A_338 : vector<16xf32>
      %add3A_340 = arith.constant 0 : i32
      %add3A_341 = arith.addi %add3A_284, %add3A_340 : i32
      %add3A_342 = arith.constant 768 : i32
      %add3A_343 = arith.addi %add3A_341, %add3A_342 : i32
      %get3A_344 = arith.index_cast %add3A_343 : i32 to index
      %get3A_345 = tpu.vector_load %arg7[%get3A_344] {strides = array<i32>} : memref<16384xf32, #tpu.memory_space<vmem>>, vector<16xf32>,
      %sub3A_346 = arith.subf %get3A_345, %broadcast_in_dim3A_30 : vector<16xf32>
      %mul3A_347 = arith.mulf %sub3A_346, %sub3A_346 : vector<16xf32>
      %add3A_348 = arith.addf %add3A_339, %mul3A_347 : vector<16xf32>
      %add3A_349 = arith.constant 0 : i32
      %add3A_350 = arith.addi %add3A_284, %add3A_349 : i32
      %add3A_351 = arith.constant 896 : i32
      %add3A_352 = arith.addi %add3A_350, %add3A_351 : i32
      %get3A_353 = arith.index_cast %add3A_352 : i32 to index
      %get3A_354 = tpu.vector_load %arg7[%get3A_353] {strides = array<i32>} : memref<16384xf32, #tpu.memory_space<vmem>>, vector<16xf32>,
      %sub3A_355 = arith.subf %get3A_354, %broadcast_in_dim3A_33 : vector<16xf32>
      %mul3A_356 = arith.mulf %sub3A_355, %sub3A_355 : vector<16xf32>
      %add3A_357 = arith.addf %add3A_348, %mul3A_356 : vector<16xf32>
      %add3A_358 = arith.constant 4096 : i32
      %add3A_359 = arith.addi %add3A_284, %add3A_358 : i32
      %add3A_360 = arith.constant 0 : i32
      %add3A_361 = arith.addi %add3A_359, %add3A_360 : i32
      %get3A_362 = arith.index_cast %add3A_361 : i32 to index
      %get3A_363 = tpu.vector_load %arg7[%get3A_362] {strides = array<i32>} : memref<16384xf32, #tpu.memory_space<vmem>>, vector<16xf32>,
      %sub3A_364 = arith.subf %get3A_363, %broadcast_in_dim3A_36 : vector<16xf32>
      %mul3A_365 = arith.mulf %sub3A_364, %sub3A_364 : vector<16xf32>
      %add3A_366 = arith.addf %add3A_357, %mul3A_365 : vector<16xf32>
      %add3A_367 = arith.constant 4096 : i32
      %add3A_368 = arith.addi %add3A_284, %add3A_367 : i32
      %add3A_369 = arith.constant 128 : i32
      %add3A_370 = arith.addi %add3A_368, %add3A_369 : i32
      %get3A_371 = arith.index_cast %add3A_370 : i32 to index
      %get3A_372 = tpu.vector_load %arg7[%get3A_371] {strides = array<i32>} : memref<16384xf32, #tpu.memory_space<vmem>>, vector<16xf32>,
      %sub3A_373 = arith.subf %get3A_372, %broadcast_in_dim3A_39 : vector<16xf32>
      %mul3A_374 = arith.mulf %sub3A_373, %sub3A_373 : vector<16xf32>
      %add3A_375 = arith.addf %add3A_366, %mul3A_374 : vector<16xf32>
      %add3A_376 = arith.constant 4096 : i32
      %add3A_377 = arith.addi %add3A_284, %add3A_376 : i32
      %add3A_378 = arith.constant 256 : i32
      %add3A_379 = arith.addi %add3A_377, %add3A_378 : i32
      %get3A_380 = arith.index_cast %add3A_379 : i32 to index
      %get3A_381 = tpu.vector_load %arg7[%get3A_380] {strides = array<i32>} : memref<16384xf32, #tpu.memory_space<vmem>>, vector<16xf32>,
      %sub3A_382 = arith.subf %get3A_381, %broadcast_in_dim3A_42 : vector<16xf32>
      %mul3A_383 = arith.mulf %sub3A_382, %sub3A_382 : vector<16xf32>
      %add3A_384 = arith.addf %add3A_375, %mul3A_383 : vector<16xf32>
      %add3A_385 = arith.constant 4096 : i32
      %add3A_386 = arith.addi %add3A_284, %add3A_385 : i32
      %add3A_387 = arith.constant 384 : i32
      %add3A_388 = arith.addi %add3A_386, %add3A_387 : i32
      %get3A_389 = arith.index_cast %add3A_388 : i32 to index
      %get3A_390 = tpu.vector_load %arg7[%get3A_389] {strides = array<i32>} : memref<16384xf32, #tpu.memory_space<vmem>>, vector<16xf32>,
      %sub3A_391 = arith.subf %get3A_390, %broadcast_in_dim3A_45 : vector<16xf32>
      %mul3A_392 = arith.mulf %sub3A_391, %sub3A_391 : vector<16xf32>
      %add3A_393 = arith.addf %add3A_384, %mul3A_392 : vector<16xf32>
      %add3A_394 = arith.constant 4096 : i32
      %add3A_395 = arith.addi %add3A_284, %add3A_394 : i32
      %add3A_396 = arith.constant 512 : i32
      %add3A_397 = arith.addi %add3A_395, %add3A_396 : i32
      %get3A_398 = arith.index_cast %add3A_397 : i32 to index
      %get3A_399 = tpu.vector_load %arg7[%get3A_398] {strides = array<i32>} : memref<16384xf32, #tpu.memory_space<vmem>>, vector<16xf32>,
      %sub3A_400 = arith.subf %get3A_399, %broadcast_in_dim3A_48 : vector<16xf32>
      %mul3A_401 = arith.mulf %sub3A_400, %sub3A_400 : vector<16xf32>
      %add3A_402 = arith.addf %add3A_393, %mul3A_401 : vector<16xf32>
      %add3A_403 = arith.constant 4096 : i32
      %add3A_404 = arith.addi %add3A_284, %add3A_403 : i32
      %add3A_405 = arith.constant 640 : i32
      %add3A_406 = arith.addi %add3A_404, %add3A_405 : i32
      %get3A_407 = arith.index_cast %add3A_406 : i32 to index
      %get3A_408 = tpu.vector_load %arg7[%get3A_407] {strides = array<i32>} : memref<16384xf32, #tpu.memory_space<vmem>>, vector<16xf32>,
      %sub3A_409 = arith.subf %get3A_408, %broadcast_in_dim3A_51 : vector<16xf32>
      %mul3A_410 = arith.mulf %sub3A_409, %sub3A_409 : vector<16xf32>
      %add3A_411 = arith.addf %add3A_402, %mul3A_410 : vector<16xf32>
      %add3A_412 = arith.constant 4096 : i32
      %add3A_413 = arith.addi %add3A_284, %add3A_412 : i32
      %add3A_414 = arith.constant 768 : i32
      %add3A_415 = arith.addi %add3A_413, %add3A_414 : i32
      %get3A_416 = arith.index_cast %add3A_415 : i32 to index
      %get3A_417 = tpu.vector_load %arg7[%get3A_416] {strides = array<i32>} : memref<16384xf32, #tpu.memory_space<vmem>>, vector<16xf32>,
      %sub3A_418 = arith.subf %get3A_417, %broadcast_in_dim3A_54 : vector<16xf32>
      %mul3A_419 = arith.mulf %sub3A_418, %sub3A_418 : vector<16xf32>
      %add3A_420 = arith.addf %add3A_411, %mul3A_419 : vector<16xf32>
      %add3A_421 = arith.constant 4096 : i32
      %add3A_422 = arith.addi %add3A_284, %add3A_421 : i32
      %add3A_423 = arith.constant 896 : i32
      %add3A_424 = arith.addi %add3A_422, %add3A_423 : i32
      %get3A_425 = arith.index_cast %add3A_424 : i32 to index
      %get3A_426 = tpu.vector_load %arg7[%get3A_425] {strides = array<i32>} : memref<16384xf32, #tpu.memory_space<vmem>>, vector<16xf32>,
      %sub3A_427 = arith.subf %get3A_426, %broadcast_in_dim3A_57 : vector<16xf32>
      %mul3A_428 = arith.mulf %sub3A_427, %sub3A_427 : vector<16xf32>
      %add3A_429 = arith.addf %add3A_420, %mul3A_428 : vector<16xf32>
      %add3A_430 = arith.constant 8192 : i32
      %add3A_431 = arith.addi %add3A_284, %add3A_430 : i32
      %add3A_432 = arith.constant 0 : i32
      %add3A_433 = arith.addi %add3A_431, %add3A_432 : i32
      %get3A_434 = arith.index_cast %add3A_433 : i32 to index
      %get3A_435 = tpu.vector_load %arg7[%get3A_434] {strides = array<i32>} : memref<16384xf32, #tpu.memory_space<vmem>>, vector<16xf32>,
      %sub3A_436 = arith.subf %get3A_435, %broadcast_in_dim3A_60 : vector<16xf32>
      %mul3A_437 = arith.mulf %sub3A_436, %sub3A_436 : vector<16xf32>
      %add3A_438 = arith.addf %add3A_429, %mul3A_437 : vector<16xf32>
      %add3A_439 = arith.constant 8192 : i32
      %add3A_440 = arith.addi %add3A_284, %add3A_439 : i32
      %add3A_441 = arith.constant 128 : i32
      %add3A_442 = arith.addi %add3A_440, %add3A_441 : i32
      %get3A_443 = arith.index_cast %add3A_442 : i32 to index
      %get3A_444 = tpu.vector_load %arg7[%get3A_443] {strides = array<i32>} : memref<16384xf32, #tpu.memory_space<vmem>>, vector<16xf32>,
      %sub3A_445 = arith.subf %get3A_444, %broadcast_in_dim3A_63 : vector<16xf32>
      %mul3A_446 = arith.mulf %sub3A_445, %sub3A_445 : vector<16xf32>
      %add3A_447 = arith.addf %add3A_438, %mul3A_446 : vector<16xf32>
      %add3A_448 = arith.constant 8192 : i32
      %add3A_449 = arith.addi %add3A_284, %add3A_448 : i32
      %add3A_450 = arith.constant 256 : i32
      %add3A_451 = arith.addi %add3A_449, %add3A_450 : i32
      %get3A_452 = arith.index_cast %add3A_451 : i32 to index
      %get3A_453 = tpu.vector_load %arg7[%get3A_452] {strides = array<i32>} : memref<16384xf32, #tpu.memory_space<vmem>>, vector<16xf32>,
      %sub3A_454 = arith.subf %get3A_453, %broadcast_in_dim3A_66 : vector<16xf32>
      %mul3A_455 = arith.mulf %sub3A_454, %sub3A_454 : vector<16xf32>
      %add3A_456 = arith.addf %add3A_447, %mul3A_455 : vector<16xf32>
      %add3A_457 = arith.constant 8192 : i32
      %add3A_458 = arith.addi %add3A_284, %add3A_457 : i32
      %add3A_459 = arith.constant 384 : i32
      %add3A_460 = arith.addi %add3A_458, %add3A_459 : i32
      %get3A_461 = arith.index_cast %add3A_460 : i32 to index
      %get3A_462 = tpu.vector_load %arg7[%get3A_461] {strides = array<i32>} : memref<16384xf32, #tpu.memory_space<vmem>>, vector<16xf32>,
      %sub3A_463 = arith.subf %get3A_462, %broadcast_in_dim3A_69 : vector<16xf32>
      %mul3A_464 = arith.mulf %sub3A_463, %sub3A_463 : vector<16xf32>
      %add3A_465 = arith.addf %add3A_456, %mul3A_464 : vector<16xf32>
      %add3A_466 = arith.constant 8192 : i32
      %add3A_467 = arith.addi %add3A_284, %add3A_466 : i32
      %add3A_468 = arith.constant 512 : i32
      %add3A_469 = arith.addi %add3A_467, %add3A_468 : i32
      %get3A_470 = arith.index_cast %add3A_469 : i32 to index
      %get3A_471 = tpu.vector_load %arg7[%get3A_470] {strides = array<i32>} : memref<16384xf32, #tpu.memory_space<vmem>>, vector<16xf32>,
      %sub3A_472 = arith.subf %get3A_471, %broadcast_in_dim3A_72 : vector<16xf32>
      %mul3A_473 = arith.mulf %sub3A_472, %sub3A_472 : vector<16xf32>
      %add3A_474 = arith.addf %add3A_465, %mul3A_473 : vector<16xf32>
      %add3A_475 = arith.constant 8192 : i32
      %add3A_476 = arith.addi %add3A_284, %add3A_475 : i32
      %add3A_477 = arith.constant 640 : i32
      %add3A_478 = arith.addi %add3A_476, %add3A_477 : i32
      %get3A_479 = arith.index_cast %add3A_478 : i32 to index
      %get3A_480 = tpu.vector_load %arg7[%get3A_479] {strides = array<i32>} : memref<16384xf32, #tpu.memory_space<vmem>>, vector<16xf32>,
      %sub3A_481 = arith.subf %get3A_480, %broadcast_in_dim3A_75 : vector<16xf32>
      %mul3A_482 = arith.mulf %sub3A_481, %sub3A_481 : vector<16xf32>
      %add3A_483 = arith.addf %add3A_474, %mul3A_482 : vector<16xf32>
      %add3A_484 = arith.constant 8192 : i32
      %add3A_485 = arith.addi %add3A_284, %add3A_484 : i32
      %add3A_486 = arith.constant 768 : i32
      %add3A_487 = arith.addi %add3A_485, %add3A_486 : i32
      %get3A_488 = arith.index_cast %add3A_487 : i32 to index
      %get3A_489 = tpu.vector_load %arg7[%get3A_488] {strides = array<i32>} : memref<16384xf32, #tpu.memory_space<vmem>>, vector<16xf32>,
      %sub3A_490 = arith.subf %get3A_489, %broadcast_in_dim3A_78 : vector<16xf32>
      %mul3A_491 = arith.mulf %sub3A_490, %sub3A_490 : vector<16xf32>
      %add3A_492 = arith.addf %add3A_483, %mul3A_491 : vector<16xf32>
      %add3A_493 = arith.constant 8192 : i32
      %add3A_494 = arith.addi %add3A_284, %add3A_493 : i32
      %add3A_495 = arith.constant 896 : i32
      %add3A_496 = arith.addi %add3A_494, %add3A_495 : i32
      %get3A_497 = arith.index_cast %add3A_496 : i32 to index
      %get3A_498 = tpu.vector_load %arg7[%get3A_497] {strides = array<i32>} : memref<16384xf32, #tpu.memory_space<vmem>>, vector<16xf32>,
      %sub3A_499 = arith.subf %get3A_498, %broadcast_in_dim3A_81 : vector<16xf32>
      %mul3A_500 = arith.mulf %sub3A_499, %sub3A_499 : vector<16xf32>
      %add3A_501 = arith.addf %add3A_492, %mul3A_500 : vector<16xf32>
      %add3A_502 = arith.constant 12288 : i32
      %add3A_503 = arith.addi %add3A_284, %add3A_502 : i32
      %add3A_504 = arith.constant 0 : i32
      %add3A_505 = arith.addi %add3A_503, %add3A_504 : i32
      %get3A_506 = arith.index_cast %add3A_505 : i32 to index
      %get3A_507 = tpu.vector_load %arg7[%get3A_506] {strides = array<i32>} : memref<16384xf32, #tpu.memory_space<vmem>>, vector<16xf32>,
      %sub3A_508 = arith.subf %get3A_507, %broadcast_in_dim3A_84 : vector<16xf32>
      %mul3A_509 = arith.mulf %sub3A_508, %sub3A_508 : vector<16xf32>
      %add3A_510 = arith.addf %add3A_501, %mul3A_509 : vector<16xf32>
      %add3A_511 = arith.constant 12288 : i32
      %add3A_512 = arith.addi %add3A_284, %add3A_511 : i32
      %add3A_513 = arith.constant 128 : i32
      %add3A_514 = arith.addi %add3A_512, %add3A_513 : i32
      %get3A_515 = arith.index_cast %add3A_514 : i32 to index
      %get3A_516 = tpu.vector_load %arg7[%get3A_515] {strides = array<i32>} : memref<16384xf32, #tpu.memory_space<vmem>>, vector<16xf32>,
      %sub3A_517 = arith.subf %get3A_516, %broadcast_in_dim3A_87 : vector<16xf32>
      %mul3A_518 = arith.mulf %sub3A_517, %sub3A_517 : vector<16xf32>
      %add3A_519 = arith.addf %add3A_510, %mul3A_518 : vector<16xf32>
      %add3A_520 = arith.constant 12288 : i32
      %add3A_521 = arith.addi %add3A_284, %add3A_520 : i32
      %add3A_522 = arith.constant 256 : i32
      %add3A_523 = arith.addi %add3A_521, %add3A_522 : i32
      %get3A_524 = arith.index_cast %add3A_523 : i32 to index
      %get3A_525 = tpu.vector_load %arg7[%get3A_524] {strides = array<i32>} : memref<16384xf32, #tpu.memory_space<vmem>>, vector<16xf32>,
      %sub3A_526 = arith.subf %get3A_525, %broadcast_in_dim3A_90 : vector<16xf32>
      %mul3A_527 = arith.mulf %sub3A_526, %sub3A_526 : vector<16xf32>
      %add3A_528 = arith.addf %add3A_519, %mul3A_527 : vector<16xf32>
      %add3A_529 = arith.constant 12288 : i32
      %add3A_530 = arith.addi %add3A_284, %add3A_529 : i32
      %add3A_531 = arith.constant 384 : i32
      %add3A_532 = arith.addi %add3A_530, %add3A_531 : i32
      %get3A_533 = arith.index_cast %add3A_532 : i32 to index
      %get3A_534 = tpu.vector_load %arg7[%get3A_533] {strides = array<i32>} : memref<16384xf32, #tpu.memory_space<vmem>>, vector<16xf32>,
      %sub3A_535 = arith.subf %get3A_534, %broadcast_in_dim3A_93 : vector<16xf32>
      %mul3A_536 = arith.mulf %sub3A_535, %sub3A_535 : vector<16xf32>
      %add3A_537 = arith.addf %add3A_528, %mul3A_536 : vector<16xf32>
      %add3A_538 = arith.constant 12288 : i32
      %add3A_539 = arith.addi %add3A_284, %add3A_538 : i32
      %add3A_540 = arith.constant 512 : i32
      %add3A_541 = arith.addi %add3A_539, %add3A_540 : i32
      %get3A_542 = arith.index_cast %add3A_541 : i32 to index
      %get3A_543 = tpu.vector_load %arg7[%get3A_542] {strides = array<i32>} : memref<16384xf32, #tpu.memory_space<vmem>>, vector<16xf32>,
      %sub3A_544 = arith.subf %get3A_543, %broadcast_in_dim3A_96 : vector<16xf32>
      %mul3A_545 = arith.mulf %sub3A_544, %sub3A_544 : vector<16xf32>
      %add3A_546 = arith.addf %add3A_537, %mul3A_545 : vector<16xf32>
      %add3A_547 = arith.constant 12288 : i32
      %add3A_548 = arith.addi %add3A_284, %add3A_547 : i32
      %add3A_549 = arith.constant 640 : i32
      %add3A_550 = arith.addi %add3A_548, %add3A_549 : i32
      %get3A_551 = arith.index_cast %add3A_550 : i32 to index
      %get3A_552 = tpu.vector_load %arg7[%get3A_551] {strides = array<i32>} : memref<16384xf32, #tpu.memory_space<vmem>>, vector<16xf32>,
      %sub3A_553 = arith.subf %get3A_552, %broadcast_in_dim3A_99 : vector<16xf32>
      %mul3A_554 = arith.mulf %sub3A_553, %sub3A_553 : vector<16xf32>
      %add3A_555 = arith.addf %add3A_546, %mul3A_554 : vector<16xf32>
      %add3A_556 = arith.constant 12288 : i32
      %add3A_557 = arith.addi %add3A_284, %add3A_556 : i32
      %add3A_558 = arith.constant 768 : i32
      %add3A_559 = arith.addi %add3A_557, %add3A_558 : i32
      %get3A_560 = arith.index_cast %add3A_559 : i32 to index
      %get3A_561 = tpu.vector_load %arg7[%get3A_560] {strides = array<i32>} : memref<16384xf32, #tpu.memory_space<vmem>>, vector<16xf32>,
      %sub3A_562 = arith.subf %get3A_561, %broadcast_in_dim3A_102 : vector<16xf32>
      %mul3A_563 = arith.mulf %sub3A_562, %sub3A_562 : vector<16xf32>
      %add3A_564 = arith.addf %add3A_555, %mul3A_563 : vector<16xf32>
      %add3A_565 = arith.constant 12288 : i32
      %add3A_566 = arith.addi %add3A_284, %add3A_565 : i32
      %add3A_567 = arith.constant 896 : i32
      %add3A_568 = arith.addi %add3A_566, %add3A_567 : i32
      %get3A_569 = arith.index_cast %add3A_568 : i32 to index
      %get3A_570 = tpu.vector_load %arg7[%get3A_569] {strides = array<i32>} : memref<16384xf32, #tpu.memory_space<vmem>>, vector<16xf32>,
      %sub3A_571 = arith.subf %get3A_570, %broadcast_in_dim3A_105 : vector<16xf32>
      %mul3A_572 = arith.mulf %sub3A_571, %sub3A_571 : vector<16xf32>
      %add3A_573 = arith.addf %add3A_564, %mul3A_572 : vector<16xf32>
      %lt3A = arith.cmpf olt, %add3A_573, %scan3A_274 : vector<16xf32>
      %select_n3A_574 = arith.select %lt3A, %add3A_573, %scan3A_274 : vector<16xi1>, vector<16xf32>
      %mul3A_575 = arith.constant 16 : i32
      %mul3A_576 = arith.muli %scan3A_273, %mul3A_575 : i32
      %add3A_577 = arith.addi %mul3A_0, %mul3A_576 : i32
      %add3A_578 = vector.broadcast %add3A_577 : i32 to vector<16xi32>
      %add3A_579 = arith.addi %add3A_578, %iota3A : vector<16xi32>
      %select_n3A_580 = arith.select %lt3A, %add3A_579, %scan3A_275 : vector<16xi1>, vector<16xi32>
      scf.yield %select_n3A_574, %select_n3A_580 : vector<16xf32>, vector<16xi32>
    }
    %scan3A_115 = arith.constant 32 : i32
    %reduce_min3A = arith.constant true
    %reduce_min3A_116 = vector.broadcast %reduce_min3A : i1 to vector<16xi1>
    %reduce_min3A_117 = tpu.scan <min>, %scan3A_114#0 masked %reduce_min3A_116 : vector<16xf32>, vector<16xi1> -> vector<16xf32>
    %reduce_min3A_118 = vector.extract %reduce_min3A_117[15] : f32 from vector<16xf32>
    %eq3A = vector.broadcast %reduce_min3A_118 : f32 to vector<16xf32>
    %eq3A_119 = arith.cmpf oeq, %scan3A_114#0, %eq3A : vector<16xf32>
    %jit3A = arith.constant 2147483647 : i32
    %broadcast_in_dim3A_120 = vector.broadcast %jit3A : i32 to vector<16xi32>
    %select_n3A = arith.select %eq3A_119, %scan3A_114#1, %broadcast_in_dim3A_120 : vector<16xi1>, vector<16xi32>
    %reduce_min3A_121 = arith.constant true
    %reduce_min3A_122 = vector.broadcast %reduce_min3A_121 : i1 to vector<16xi1>
    %reduce_min3A_123 = arith.constant -2147483648 : i32
    %reduce_min3A_124 = vector.broadcast %reduce_min3A_123 : i32 to vector<16xi32>
    %reduce_min3A_125 = arith.xori %select_n3A, %reduce_min3A_124 : vector<16xi32>
    %reduce_min3A_126 = tpu.scan <min>, %reduce_min3A_125 masked %reduce_min3A_122 : vector<16xi32>, vector<16xi1> -> vector<16xi32>
    %reduce_min3A_127 = arith.xori %reduce_min3A_126, %reduce_min3A_124 : vector<16xi32>
    %reduce_min3A_128 = vector.extract %reduce_min3A_127[15] : i32 from vector<16xi32>
    %broadcast_in_dim3A_129 = vector.broadcast %reduce_min3A_118 : f32 to vector<16xf32>
    %swap3A = arith.constant 0 : index
    %swap3A_130 = tpu.vector_load %arg17[%swap3A] {strides = array<i32>} : memref<16xf32, #tpu.memory_space<vmem>>, vector<16xf32>,
    tpu.vector_store %arg17[%swap3A], %broadcast_in_dim3A_129 {strides = array<i32>} : memref<16xf32, #tpu.memory_space<vmem>>, vector<16xf32>,
    %broadcast_in_dim3A_131 = vector.broadcast %reduce_min3A_128 : i32 to vector<16xi32>
    %swap3A_132 = arith.constant 0 : index
    %swap3A_133 = tpu.vector_load %arg18[%swap3A_132] {strides = array<i32>} : memref<16xi32, #tpu.memory_space<vmem>>, vector<16xi32>,
    tpu.vector_store %arg18[%swap3A_132], %broadcast_in_dim3A_131 {strides = array<i32>} : memref<16xi32, #tpu.memory_space<vmem>>, vector<16xi32>,
    %mul3A_134 = arith.constant 16 : i32
    %mul3A_135 = arith.muli %arg1, %mul3A_134 : i32
    "tpu.region"() ({
      %run_scoped3A = tpu.sem_alloc : memref<!tpu.dma_semaphore, #tpu.memory_space<semaphore_mem>>
      %dma_start3A_273 = tpu.memref_slice %arg13[%mul3A_135] : memref<256xf32, #tpu.memory_space<vmem_shared>> -> memref<16xf32, #tpu.memory_space<vmem_shared>>
      %dma_start3A_274 = tpu.memref_slice %arg13[%mul3A_135] : memref<256xf32, #tpu.memory_space<vmem_shared>> -> memref<16xf32, #tpu.memory_space<vmem_shared>>
      tpu.enqueue_dma source(%arg17 : memref<16xf32, #tpu.memory_space<vmem>>) target(%dma_start3A_274 : memref<16xf32, #tpu.memory_space<vmem_shared>>) target_semaphore(%run_scoped3A : memref<!tpu.dma_semaphore, #tpu.memory_space<semaphore_mem>>)
      %dma_wait3A_275 = tpu.memref_slice %arg13[%mul3A_135] : memref<256xf32, #tpu.memory_space<vmem_shared>> -> memref<16xf32, #tpu.memory_space<vmem_shared>>
      %dma_wait3A_276 = tpu.memref_slice %arg13[%mul3A_135] : memref<256xf32, #tpu.memory_space<vmem_shared>> -> memref<16xf32, #tpu.memory_space<vmem_shared>>
      tpu.wait_dma2 semaphore(%run_scoped3A : memref<!tpu.dma_semaphore, #tpu.memory_space<semaphore_mem>>) src(%arg17 : memref<16xf32, #tpu.memory_space<vmem>>) dst(%dma_wait3A_276 : memref<16xf32, #tpu.memory_space<vmem_shared>>)
      tpu.yield
    }) : () -> ()
    %mul3A_136 = arith.constant 16 : i32
    %mul3A_137 = arith.muli %arg1, %mul3A_136 : i32
    "tpu.region"() ({
      %run_scoped3A = tpu.sem_alloc : memref<!tpu.dma_semaphore, #tpu.memory_space<semaphore_mem>>
      %dma_start3A_273 = tpu.memref_slice %arg14[%mul3A_137] : memref<256xi32, #tpu.memory_space<vmem_shared>> -> memref<16xi32, #tpu.memory_space<vmem_shared>>
      %dma_start3A_274 = tpu.memref_slice %arg14[%mul3A_137] : memref<256xi32, #tpu.memory_space<vmem_shared>> -> memref<16xi32, #tpu.memory_space<vmem_shared>>
      tpu.enqueue_dma source(%arg18 : memref<16xi32, #tpu.memory_space<vmem>>) target(%dma_start3A_274 : memref<16xi32, #tpu.memory_space<vmem_shared>>) target_semaphore(%run_scoped3A : memref<!tpu.dma_semaphore, #tpu.memory_space<semaphore_mem>>)
      %dma_wait3A_275 = tpu.memref_slice %arg14[%mul3A_137] : memref<256xi32, #tpu.memory_space<vmem_shared>> -> memref<16xi32, #tpu.memory_space<vmem_shared>>
      %dma_wait3A_276 = tpu.memref_slice %arg14[%mul3A_137] : memref<256xi32, #tpu.memory_space<vmem_shared>> -> memref<16xi32, #tpu.memory_space<vmem_shared>>
      tpu.wait_dma2 semaphore(%run_scoped3A : memref<!tpu.dma_semaphore, #tpu.memory_space<semaphore_mem>>) src(%arg18 : memref<16xi32, #tpu.memory_space<vmem>>) dst(%dma_wait3A_276 : memref<16xi32, #tpu.memory_space<vmem_shared>>)
      tpu.yield
    }) : () -> ()
    %barrier3A = arith.constant 0 : index
    tpu.barrier barrier_id(%barrier3A)
    "tpu.region"() ({
      %run_scoped3A = tpu.sem_alloc : memref<!tpu.dma_semaphore, #tpu.memory_space<semaphore_mem>>
      tpu.enqueue_dma source(%arg13 : memref<256xf32, #tpu.memory_space<vmem_shared>>) target(%arg15 : memref<256xf32, #tpu.memory_space<vmem>>) target_semaphore(%run_scoped3A : memref<!tpu.dma_semaphore, #tpu.memory_space<semaphore_mem>>)
      tpu.wait_dma2 semaphore(%run_scoped3A : memref<!tpu.dma_semaphore, #tpu.memory_space<semaphore_mem>>) src(%arg13 : memref<256xf32, #tpu.memory_space<vmem_shared>>) dst(%arg15 : memref<256xf32, #tpu.memory_space<vmem>>)
      tpu.yield
    }) : () -> ()
    "tpu.region"() ({
      %run_scoped3A = tpu.sem_alloc : memref<!tpu.dma_semaphore, #tpu.memory_space<semaphore_mem>>
      tpu.enqueue_dma source(%arg14 : memref<256xi32, #tpu.memory_space<vmem_shared>>) target(%arg16 : memref<256xi32, #tpu.memory_space<vmem>>) target_semaphore(%run_scoped3A : memref<!tpu.dma_semaphore, #tpu.memory_space<semaphore_mem>>)
      tpu.wait_dma2 semaphore(%run_scoped3A : memref<!tpu.dma_semaphore, #tpu.memory_space<semaphore_mem>>) src(%arg14 : memref<256xi32, #tpu.memory_space<vmem_shared>>) dst(%arg16 : memref<256xi32, #tpu.memory_space<vmem>>)
      tpu.yield
    }) : () -> ()
    %get3A_138 = arith.constant 0 : index
    %get3A_139 = tpu.vector_load %arg15[%get3A_138] {strides = array<i32>} : memref<256xf32, #tpu.memory_space<vmem>>, vector<16xf32>,
    %scan3A_140 = arith.constant 1 : i32
    %scan3A_141 = arith.constant 15 : i32
    %scan3A_142 = arith.addi %scan3A_140, %scan3A_141 : i32
    %scan3A_143 = arith.constant 1 : i32
    %scan3A_144 = scf.for %scan3A_273 = %scan3A_140 to %scan3A_142 step %scan3A_143 iter_args(%scan3A_274 = %get3A_139) -> (vector<16xf32>)  : i32 {
      %mul3A_275 = arith.constant 16 : i32
      %mul3A_276 = arith.muli %scan3A_273, %mul3A_275 : i32
      %get3A_277 = arith.index_cast %mul3A_276 : i32 to index
      %get3A_278 = tpu.vector_load %arg15[%get3A_277] {strides = array<i32>} : memref<256xf32, #tpu.memory_space<vmem>>, vector<16xf32>,
      %min3A = arith.minimumf %scan3A_274, %get3A_278 : vector<16xf32>
      scf.yield %min3A : vector<16xf32>
    }
    %scan3A_145 = arith.constant 15 : i32
    %broadcast_in_dim3A_146 = arith.constant 2147483647 : i32
    %broadcast_in_dim3A_147 = vector.broadcast %broadcast_in_dim3A_146 : i32 to vector<16xi32>
    %scan3A_148 = arith.constant 0 : i32
    %scan3A_149 = arith.constant 16 : i32
    %scan3A_150 = arith.addi %scan3A_148, %scan3A_149 : i32
    %scan3A_151 = arith.constant 1 : i32
    %scan3A_152 = scf.for %scan3A_273 = %scan3A_148 to %scan3A_150 step %scan3A_151 iter_args(%scan3A_274 = %broadcast_in_dim3A_147) -> (vector<16xi32>)  : i32 {
      %mul3A_275 = arith.constant 16 : i32
      %mul3A_276 = arith.muli %scan3A_273, %mul3A_275 : i32
      %get3A_277 = arith.index_cast %mul3A_276 : i32 to index
      %get3A_278 = tpu.vector_load %arg15[%get3A_277] {strides = array<i32>} : memref<256xf32, #tpu.memory_space<vmem>>, vector<16xf32>,
      %mul3A_279 = arith.constant 16 : i32
      %mul3A_280 = arith.muli %scan3A_273, %mul3A_279 : i32
      %get3A_281 = arith.index_cast %mul3A_280 : i32 to index
      %get3A_282 = tpu.vector_load %arg16[%get3A_281] {strides = array<i32>} : memref<256xi32, #tpu.memory_space<vmem>>, vector<16xi32>,
      %eq3A_283 = arith.cmpf oeq, %get3A_278, %scan3A_144 : vector<16xf32>
      %jit3A_284 = arith.constant 2147483647 : i32
      %broadcast_in_dim3A_285 = vector.broadcast %jit3A_284 : i32 to vector<16xi32>
      %select_n3A_286 = arith.select %eq3A_283, %get3A_282, %broadcast_in_dim3A_285 : vector<16xi1>, vector<16xi32>
      %min3A = arith.minsi %scan3A_274, %select_n3A_286 : vector<16xi32>
      scf.yield %min3A : vector<16xi32>
    }
    %scan3A_153 = arith.constant 16 : i32
    %shift_right_arithmetic3A = arith.constant 7 : i32
    %shift_right_arithmetic3A_154 = vector.broadcast %shift_right_arithmetic3A : i32 to vector<16xi32>
    %shift_right_arithmetic3A_155 = arith.shrsi %scan3A_152, %shift_right_arithmetic3A_154 : vector<16xi32>
    %shift_left3A = arith.constant 10 : i32
    %shift_left3A_156 = vector.broadcast %shift_left3A : i32 to vector<16xi32>
    %shift_left3A_157 = arith.shli %shift_right_arithmetic3A_155, %shift_left3A_156 : vector<16xi32>
    %and3A = arith.constant 127 : i32
    %and3A_158 = vector.broadcast %and3A : i32 to vector<16xi32>
    %and3A_159 = arith.andi %scan3A_152, %and3A_158 : vector<16xi32>
    %add3A = arith.addi %shift_left3A_157, %and3A_159 : vector<16xi32>
    %scan3A_160 = arith.constant 0 : i32
    %scan3A_161 = arith.constant 0 : i32
    %scan3A_162 = arith.constant 32 : i32
    %scan3A_163 = arith.addi %scan3A_161, %scan3A_162 : i32
    %scan3A_164 = arith.constant 1 : i32
    %scan3A_165 = scf.for %scan3A_273 = %scan3A_161 to %scan3A_163 step %scan3A_164 iter_args(%scan3A_274 = %scan3A_160) -> (i32)  : i32 {
      %mul3A_275 = arith.constant 16 : i32
      %mul3A_276 = arith.muli %scan3A_273, %mul3A_275 : i32
      %add3A_277 = arith.addi %mul3A_0, %mul3A_276 : i32
      %add3A_278 = vector.broadcast %add3A_277 : i32 to vector<16xi32>
      %add3A_279 = arith.addi %add3A_278, %iota3A : vector<16xi32>
      %shift_right_arithmetic3A_280 = arith.constant 3 : i32
      %shift_right_arithmetic3A_281 = vector.broadcast %shift_right_arithmetic3A_280 : i32 to vector<16xi32>
      %shift_right_arithmetic3A_282 = arith.shrsi %add3A_279, %shift_right_arithmetic3A_281 : vector<16xi32>
      %shift_left3A_283 = arith.constant 16 : i32
      %shift_left3A_284 = vector.broadcast %shift_left3A_283 : i32 to vector<16xi32>
      %shift_left3A_285 = arith.shli %shift_right_arithmetic3A_282, %shift_left3A_284 : vector<16xi32>
      %and3A_286 = arith.constant 7 : i32
      %and3A_287 = vector.broadcast %and3A_286 : i32 to vector<16xi32>
      %and3A_288 = arith.andi %add3A_279, %and3A_287 : vector<16xi32>
      %shift_left3A_289 = arith.constant 7 : i32
      %shift_left3A_290 = vector.broadcast %shift_left3A_289 : i32 to vector<16xi32>
      %shift_left3A_291 = arith.shli %and3A_288, %shift_left3A_290 : vector<16xi32>
      %add3A_292 = arith.addi %shift_left3A_285, %shift_left3A_291 : vector<16xi32>
      %add3A_293 = arith.addi %add3A_292, %add3A : vector<16xi32>
      %shift_right_arithmetic3A_294 = arith.constant 3 : i32
      %shift_right_arithmetic3A_295 = arith.shrsi %scan3A_273, %shift_right_arithmetic3A_294 : i32
      %and3A_296 = arith.constant 7 : i32
      %and3A_297 = arith.andi %scan3A_273, %and3A_296 : i32
      %mul3A_298 = arith.constant 16 : i32
      %mul3A_299 = arith.muli %and3A_297, %mul3A_298 : i32
      %swap3A_300 = arith.index_cast %shift_right_arithmetic3A_295 : i32 to index
      %swap3A_301 = arith.index_cast %mul3A_299 : i32 to index
      %swap3A_302 = tpu.vector_load %arg10[%swap3A_300, %swap3A_301] {strides = array<i32>} : memref<4x128xi32, #tpu.memory_space<vmem>>, vector<16xi32>,
      tpu.vector_store %arg10[%swap3A_300, %swap3A_301], %add3A_293 {strides = array<i32>} : memref<4x128xi32, #tpu.memory_space<vmem>>, vector<16xi32>,
      %scan3A_303 = arith.constant 0 : i32
      scf.yield %scan3A_303 : i32
    }
    %scan3A_166 = arith.constant 32 : i32
    %dma_start3A = arith.constant 0 : i32
    %dma_start3A_167 = arith.constant 0 : i32
    %dma_start3A_168 = arith.constant 0 : i32
    %dma_start3A_169 = tpu.memref_slice %arg11[%dma_start3A_167, %dma_start3A_168] : memref<4x128xf32, #tpu.memory_space<vmem>> -> memref<1x128xf32, #tpu.memory_space<vmem>>
    %dma_start3A_170 = tpu.memref_squeeze %dma_start3A_169 : memref<1x128xf32, #tpu.memory_space<vmem>> -> memref<128xf32, #tpu.memory_space<vmem>>
    %dma_start3A_171 = arith.constant 0 : i32
    %dma_start3A_172 = tpu.memref_slice %arg10[%dma_start3A, %dma_start3A_171] : memref<4x128xi32, #tpu.memory_space<vmem>> -> memref<1x128xi32, #tpu.memory_space<vmem>>
    %dma_start3A_173 = tpu.memref_squeeze %dma_start3A_172 : memref<1x128xi32, #tpu.memory_space<vmem>> -> memref<128xi32, #tpu.memory_space<vmem>>
    %dma_start3A_174 = arith.constant 0 : i32
    %dma_start3A_175 = tpu.memref_slice %arg3[%dma_start3A_174] : memref<67108864xf32, #tpu.memory_space<hbm>> -> memref<67108864xf32, #tpu.memory_space<hbm>>
    tpu.enqueue_indirect_dma source(%dma_start3A_175 : memref<67108864xf32, #tpu.memory_space<hbm>>) target(%dma_start3A_170 : memref<128xf32, #tpu.memory_space<vmem>>) offsets(%dma_start3A_173 : memref<128xi32, #tpu.memory_space<vmem>>) semaphore(%arg20 : memref<!tpu.dma_semaphore, #tpu.memory_space<semaphore_mem>>)
    %dma_start3A_176 = arith.constant 1 : i32
    %dma_start3A_177 = arith.constant 1 : i32
    %dma_start3A_178 = arith.constant 0 : i32
    %dma_start3A_179 = tpu.memref_slice %arg11[%dma_start3A_177, %dma_start3A_178] : memref<4x128xf32, #tpu.memory_space<vmem>> -> memref<1x128xf32, #tpu.memory_space<vmem>>
    %dma_start3A_180 = tpu.memref_squeeze %dma_start3A_179 : memref<1x128xf32, #tpu.memory_space<vmem>> -> memref<128xf32, #tpu.memory_space<vmem>>
    %dma_start3A_181 = arith.constant 0 : i32
    %dma_start3A_182 = tpu.memref_slice %arg10[%dma_start3A_176, %dma_start3A_181] : memref<4x128xi32, #tpu.memory_space<vmem>> -> memref<1x128xi32, #tpu.memory_space<vmem>>
    %dma_start3A_183 = tpu.memref_squeeze %dma_start3A_182 : memref<1x128xi32, #tpu.memory_space<vmem>> -> memref<128xi32, #tpu.memory_space<vmem>>
    %dma_start3A_184 = arith.constant 0 : i32
    %dma_start3A_185 = tpu.memref_slice %arg3[%dma_start3A_184] : memref<67108864xf32, #tpu.memory_space<hbm>> -> memref<67108864xf32, #tpu.memory_space<hbm>>
    tpu.enqueue_indirect_dma source(%dma_start3A_185 : memref<67108864xf32, #tpu.memory_space<hbm>>) target(%dma_start3A_180 : memref<128xf32, #tpu.memory_space<vmem>>) offsets(%dma_start3A_183 : memref<128xi32, #tpu.memory_space<vmem>>) semaphore(%arg20 : memref<!tpu.dma_semaphore, #tpu.memory_space<semaphore_mem>>)
    %dma_start3A_186 = arith.constant 2 : i32
    %dma_start3A_187 = arith.constant 2 : i32
    %dma_start3A_188 = arith.constant 0 : i32
    %dma_start3A_189 = tpu.memref_slice %arg11[%dma_start3A_187, %dma_start3A_188] : memref<4x128xf32, #tpu.memory_space<vmem>> -> memref<1x128xf32, #tpu.memory_space<vmem>>
    %dma_start3A_190 = tpu.memref_squeeze %dma_start3A_189 : memref<1x128xf32, #tpu.memory_space<vmem>> -> memref<128xf32, #tpu.memory_space<vmem>>
    %dma_start3A_191 = arith.constant 0 : i32
    %dma_start3A_192 = tpu.memref_slice %arg10[%dma_start3A_186, %dma_start3A_191] : memref<4x128xi32, #tpu.memory_space<vmem>> -> memref<1x128xi32, #tpu.memory_space<vmem>>
    %dma_start3A_193 = tpu.memref_squeeze %dma_start3A_192 : memref<1x128xi32, #tpu.memory_space<vmem>> -> memref<128xi32, #tpu.memory_space<vmem>>
    %dma_start3A_194 = arith.constant 0 : i32
    %dma_start3A_195 = tpu.memref_slice %arg3[%dma_start3A_194] : memref<67108864xf32, #tpu.memory_space<hbm>> -> memref<67108864xf32, #tpu.memory_space<hbm>>
    tpu.enqueue_indirect_dma source(%dma_start3A_195 : memref<67108864xf32, #tpu.memory_space<hbm>>) target(%dma_start3A_190 : memref<128xf32, #tpu.memory_space<vmem>>) offsets(%dma_start3A_193 : memref<128xi32, #tpu.memory_space<vmem>>) semaphore(%arg20 : memref<!tpu.dma_semaphore, #tpu.memory_space<semaphore_mem>>)
    %dma_start3A_196 = arith.constant 3 : i32
    %dma_start3A_197 = arith.constant 3 : i32
    %dma_start3A_198 = arith.constant 0 : i32
    %dma_start3A_199 = tpu.memref_slice %arg11[%dma_start3A_197, %dma_start3A_198] : memref<4x128xf32, #tpu.memory_space<vmem>> -> memref<1x128xf32, #tpu.memory_space<vmem>>
    %dma_start3A_200 = tpu.memref_squeeze %dma_start3A_199 : memref<1x128xf32, #tpu.memory_space<vmem>> -> memref<128xf32, #tpu.memory_space<vmem>>
    %dma_start3A_201 = arith.constant 0 : i32
    %dma_start3A_202 = tpu.memref_slice %arg10[%dma_start3A_196, %dma_start3A_201] : memref<4x128xi32, #tpu.memory_space<vmem>> -> memref<1x128xi32, #tpu.memory_space<vmem>>
    %dma_start3A_203 = tpu.memref_squeeze %dma_start3A_202 : memref<1x128xi32, #tpu.memory_space<vmem>> -> memref<128xi32, #tpu.memory_space<vmem>>
    %dma_start3A_204 = arith.constant 0 : i32
    %dma_start3A_205 = tpu.memref_slice %arg3[%dma_start3A_204] : memref<67108864xf32, #tpu.memory_space<hbm>> -> memref<67108864xf32, #tpu.memory_space<hbm>>
    tpu.enqueue_indirect_dma source(%dma_start3A_205 : memref<67108864xf32, #tpu.memory_space<hbm>>) target(%dma_start3A_200 : memref<128xf32, #tpu.memory_space<vmem>>) offsets(%dma_start3A_203 : memref<128xi32, #tpu.memory_space<vmem>>) semaphore(%arg20 : memref<!tpu.dma_semaphore, #tpu.memory_space<semaphore_mem>>)
    %dma_wait3A_206 = arith.constant 0 : i32
    %dma_wait3A_207 = arith.constant 0 : i32
    %dma_wait3A_208 = arith.constant 0 : i32
    %dma_wait3A_209 = tpu.memref_slice %arg11[%dma_wait3A_207, %dma_wait3A_208] : memref<4x128xf32, #tpu.memory_space<vmem>> -> memref<1x128xf32, #tpu.memory_space<vmem>>
    %dma_wait3A_210 = tpu.memref_squeeze %dma_wait3A_209 : memref<1x128xf32, #tpu.memory_space<vmem>> -> memref<128xf32, #tpu.memory_space<vmem>>
    %dma_wait3A_211 = arith.constant 0 : i32
    %dma_wait3A_212 = tpu.memref_slice %arg10[%dma_wait3A_206, %dma_wait3A_211] : memref<4x128xi32, #tpu.memory_space<vmem>> -> memref<1x128xi32, #tpu.memory_space<vmem>>
    %dma_wait3A_213 = tpu.memref_squeeze %dma_wait3A_212 : memref<1x128xi32, #tpu.memory_space<vmem>> -> memref<128xi32, #tpu.memory_space<vmem>>
    %dma_wait3A_214 = arith.constant 0 : i32
    %dma_wait3A_215 = tpu.memref_slice %arg3[%dma_wait3A_214] : memref<67108864xf32, #tpu.memory_space<hbm>> -> memref<67108864xf32, #tpu.memory_space<hbm>>
    tpu.wait_indirect_dma semaphore(%arg20 : memref<!tpu.dma_semaphore, #tpu.memory_space<semaphore_mem>>) src(%dma_wait3A_215 : memref<67108864xf32, #tpu.memory_space<hbm>>) dst(%dma_wait3A_210 : memref<128xf32, #tpu.memory_space<vmem>>)
    %dma_wait3A_216 = arith.constant 1 : i32
    %dma_wait3A_217 = arith.constant 1 : i32
    %dma_wait3A_218 = arith.constant 0 : i32
    %dma_wait3A_219 = tpu.memref_slice %arg11[%dma_wait3A_217, %dma_wait3A_218] : memref<4x128xf32, #tpu.memory_space<vmem>> -> memref<1x128xf32, #tpu.memory_space<vmem>>
    %dma_wait3A_220 = tpu.memref_squeeze %dma_wait3A_219 : memref<1x128xf32, #tpu.memory_space<vmem>> -> memref<128xf32, #tpu.memory_space<vmem>>
    %dma_wait3A_221 = arith.constant 0 : i32
    %dma_wait3A_222 = tpu.memref_slice %arg10[%dma_wait3A_216, %dma_wait3A_221] : memref<4x128xi32, #tpu.memory_space<vmem>> -> memref<1x128xi32, #tpu.memory_space<vmem>>
    %dma_wait3A_223 = tpu.memref_squeeze %dma_wait3A_222 : memref<1x128xi32, #tpu.memory_space<vmem>> -> memref<128xi32, #tpu.memory_space<vmem>>
    %dma_wait3A_224 = arith.constant 0 : i32
    %dma_wait3A_225 = tpu.memref_slice %arg3[%dma_wait3A_224] : memref<67108864xf32, #tpu.memory_space<hbm>> -> memref<67108864xf32, #tpu.memory_space<hbm>>
    tpu.wait_indirect_dma semaphore(%arg20 : memref<!tpu.dma_semaphore, #tpu.memory_space<semaphore_mem>>) src(%dma_wait3A_225 : memref<67108864xf32, #tpu.memory_space<hbm>>) dst(%dma_wait3A_220 : memref<128xf32, #tpu.memory_space<vmem>>)
    %dma_wait3A_226 = arith.constant 2 : i32
    %dma_wait3A_227 = arith.constant 2 : i32
    %dma_wait3A_228 = arith.constant 0 : i32
    %dma_wait3A_229 = tpu.memref_slice %arg11[%dma_wait3A_227, %dma_wait3A_228] : memref<4x128xf32, #tpu.memory_space<vmem>> -> memref<1x128xf32, #tpu.memory_space<vmem>>
    %dma_wait3A_230 = tpu.memref_squeeze %dma_wait3A_229 : memref<1x128xf32, #tpu.memory_space<vmem>> -> memref<128xf32, #tpu.memory_space<vmem>>
    %dma_wait3A_231 = arith.constant 0 : i32
    %dma_wait3A_232 = tpu.memref_slice %arg10[%dma_wait3A_226, %dma_wait3A_231] : memref<4x128xi32, #tpu.memory_space<vmem>> -> memref<1x128xi32, #tpu.memory_space<vmem>>
    %dma_wait3A_233 = tpu.memref_squeeze %dma_wait3A_232 : memref<1x128xi32, #tpu.memory_space<vmem>> -> memref<128xi32, #tpu.memory_space<vmem>>
    %dma_wait3A_234 = arith.constant 0 : i32
    %dma_wait3A_235 = tpu.memref_slice %arg3[%dma_wait3A_234] : memref<67108864xf32, #tpu.memory_space<hbm>> -> memref<67108864xf32, #tpu.memory_space<hbm>>
    tpu.wait_indirect_dma semaphore(%arg20 : memref<!tpu.dma_semaphore, #tpu.memory_space<semaphore_mem>>) src(%dma_wait3A_235 : memref<67108864xf32, #tpu.memory_space<hbm>>) dst(%dma_wait3A_230 : memref<128xf32, #tpu.memory_space<vmem>>)
    %dma_wait3A_236 = arith.constant 3 : i32
    %dma_wait3A_237 = arith.constant 3 : i32
    %dma_wait3A_238 = arith.constant 0 : i32
    %dma_wait3A_239 = tpu.memref_slice %arg11[%dma_wait3A_237, %dma_wait3A_238] : memref<4x128xf32, #tpu.memory_space<vmem>> -> memref<1x128xf32, #tpu.memory_space<vmem>>
    %dma_wait3A_240 = tpu.memref_squeeze %dma_wait3A_239 : memref<1x128xf32, #tpu.memory_space<vmem>> -> memref<128xf32, #tpu.memory_space<vmem>>
    %dma_wait3A_241 = arith.constant 0 : i32
    %dma_wait3A_242 = tpu.memref_slice %arg10[%dma_wait3A_236, %dma_wait3A_241] : memref<4x128xi32, #tpu.memory_space<vmem>> -> memref<1x128xi32, #tpu.memory_space<vmem>>
    %dma_wait3A_243 = tpu.memref_squeeze %dma_wait3A_242 : memref<1x128xi32, #tpu.memory_space<vmem>> -> memref<128xi32, #tpu.memory_space<vmem>>
    %dma_wait3A_244 = arith.constant 0 : i32
    %dma_wait3A_245 = tpu.memref_slice %arg3[%dma_wait3A_244] : memref<67108864xf32, #tpu.memory_space<hbm>> -> memref<67108864xf32, #tpu.memory_space<hbm>>
    tpu.wait_indirect_dma semaphore(%arg20 : memref<!tpu.dma_semaphore, #tpu.memory_space<semaphore_mem>>) src(%dma_wait3A_245 : memref<67108864xf32, #tpu.memory_space<hbm>>) dst(%dma_wait3A_240 : memref<128xf32, #tpu.memory_space<vmem>>)
    %get3A_246 = arith.constant 0 : index
    %get3A_247 = tpu.vector_load %arg9[%get3A_246] {strides = array<i32>} : memref<16xf32, #tpu.memory_space<vmem>>, vector<16xf32>,
    %scan3A_248 = arith.constant 0 : i32
    %scan3A_249 = arith.constant 0 : i32
    %scan3A_250 = arith.constant 32 : i32
    %scan3A_251 = arith.addi %scan3A_249, %scan3A_250 : i32
    %scan3A_252 = arith.constant 1 : i32
    %scan3A_253 = scf.for %scan3A_273 = %scan3A_249 to %scan3A_251 step %scan3A_252 iter_args(%scan3A_274 = %scan3A_248) -> (i32)  : i32 {
      %shift_right_arithmetic3A_275 = arith.constant 3 : i32
      %shift_right_arithmetic3A_276 = arith.shrsi %scan3A_273, %shift_right_arithmetic3A_275 : i32
      %and3A_277 = arith.constant 7 : i32
      %and3A_278 = arith.andi %scan3A_273, %and3A_277 : i32
      %mul3A_279 = arith.constant 16 : i32
      %mul3A_280 = arith.muli %and3A_278, %mul3A_279 : i32
      %get3A_281 = arith.index_cast %shift_right_arithmetic3A_276 : i32 to index
      %get3A_282 = arith.index_cast %mul3A_280 : i32 to index
      %get3A_283 = tpu.vector_load %arg11[%get3A_281, %get3A_282] {strides = array<i32>} : memref<4x128xf32, #tpu.memory_space<vmem>>, vector<16xf32>,
      %le3A = arith.constant 5.000000e-01 : f32
      %le3A_284 = vector.broadcast %le3A : f32 to vector<16xf32>
      %le3A_285 = arith.cmpf ole, %get3A_283, %le3A_284 : vector<16xf32>
      %jit3A_286 = arith.constant 0.000000e+00 : f32
      %broadcast_in_dim3A_287 = vector.broadcast %jit3A_286 : f32 to vector<16xf32>
      %select_n3A_288 = arith.select %le3A_285, %get3A_247, %broadcast_in_dim3A_287 : vector<16xi1>, vector<16xf32>
      %mul3A_289 = arith.constant 16 : i32
      %mul3A_290 = arith.muli %scan3A_273, %mul3A_289 : i32
      %swap3A_291 = arith.index_cast %mul3A_290 : i32 to index
      %swap3A_292 = tpu.vector_load %arg12[%swap3A_291] {strides = array<i32>} : memref<512xf32, #tpu.memory_space<vmem>>, vector<16xf32>,
      tpu.vector_store %arg12[%swap3A_291], %select_n3A_288 {strides = array<i32>} : memref<512xf32, #tpu.memory_space<vmem>>, vector<16xf32>,
      %scan3A_293 = arith.constant 0 : i32
      scf.yield %scan3A_293 : i32
    }
    %scan3A_254 = arith.constant 32 : i32
    %scan3A_255 = arith.constant 0 : i32
    %scan3A_256 = arith.constant 0 : i32
    %scan3A_257 = arith.constant 32 : i32
    %scan3A_258 = arith.addi %scan3A_256, %scan3A_257 : i32
    %scan3A_259 = arith.constant 1 : i32
    %scan3A_260 = scf.for %scan3A_273 = %scan3A_256 to %scan3A_258 step %scan3A_259 iter_args(%scan3A_274 = %scan3A_255) -> (i32)  : i32 {
      %shift_right_arithmetic3A_275 = arith.constant 3 : i32
      %shift_right_arithmetic3A_276 = arith.shrsi %scan3A_273, %shift_right_arithmetic3A_275 : i32
      %mul3A_277 = arith.constant 1024 : i32
      %mul3A_278 = arith.muli %shift_right_arithmetic3A_276, %mul3A_277 : i32
      %and3A_279 = arith.constant 7 : i32
      %and3A_280 = arith.andi %scan3A_273, %and3A_279 : i32
      %mul3A_281 = arith.constant 16 : i32
      %mul3A_282 = arith.muli %and3A_280, %mul3A_281 : i32
      %add3A_283 = arith.addi %mul3A_278, %mul3A_282 : i32
      %mul3A_284 = arith.constant 16 : i32
      %mul3A_285 = arith.muli %scan3A_273, %mul3A_284 : i32
      %get3A_286 = arith.index_cast %mul3A_285 : i32 to index
      %get3A_287 = tpu.vector_load %arg12[%get3A_286] {strides = array<i32>} : memref<512xf32, #tpu.memory_space<vmem>>, vector<16xf32>,
      %add3A_288 = arith.constant 0 : i32
      %add3A_289 = arith.addi %add3A_283, %add3A_288 : i32
      %add3A_290 = arith.constant 0 : i32
      %add3A_291 = arith.addi %add3A_289, %add3A_290 : i32
      %get3A_292 = arith.index_cast %add3A_291 : i32 to index
      %get3A_293 = tpu.vector_load %arg7[%get3A_292] {strides = array<i32>} : memref<16384xf32, #tpu.memory_space<vmem>>, vector<16xf32>,
      %sub3A = arith.subf %broadcast_in_dim3A, %get3A_293 : vector<16xf32>
      %mul3A_294 = arith.mulf %sub3A, %get3A_287 : vector<16xf32>
      %add3A_295 = arith.addf %get3A_293, %mul3A_294 : vector<16xf32>
      %swap3A_296 = arith.index_cast %add3A_291 : i32 to index
      %swap3A_297 = tpu.vector_load %arg7[%swap3A_296] {strides = array<i32>} : memref<16384xf32, #tpu.memory_space<vmem>>, vector<16xf32>,
      tpu.vector_store %arg7[%swap3A_296], %add3A_295 {strides = array<i32>} : memref<16384xf32, #tpu.memory_space<vmem>>, vector<16xf32>,
      %add3A_298 = arith.constant 0 : i32
      %add3A_299 = arith.addi %add3A_283, %add3A_298 : i32
      %add3A_300 = arith.constant 128 : i32
      %add3A_301 = arith.addi %add3A_299, %add3A_300 : i32
      %get3A_302 = arith.index_cast %add3A_301 : i32 to index
      %get3A_303 = tpu.vector_load %arg7[%get3A_302] {strides = array<i32>} : memref<16384xf32, #tpu.memory_space<vmem>>, vector<16xf32>,
      %sub3A_304 = arith.subf %broadcast_in_dim3A_15, %get3A_303 : vector<16xf32>
      %mul3A_305 = arith.mulf %sub3A_304, %get3A_287 : vector<16xf32>
      %add3A_306 = arith.addf %get3A_303, %mul3A_305 : vector<16xf32>
      %swap3A_307 = arith.index_cast %add3A_301 : i32 to index
      %swap3A_308 = tpu.vector_load %arg7[%swap3A_307] {strides = array<i32>} : memref<16384xf32, #tpu.memory_space<vmem>>, vector<16xf32>,
      tpu.vector_store %arg7[%swap3A_307], %add3A_306 {strides = array<i32>} : memref<16384xf32, #tpu.memory_space<vmem>>, vector<16xf32>,
      %add3A_309 = arith.constant 0 : i32
      %add3A_310 = arith.addi %add3A_283, %add3A_309 : i32
      %add3A_311 = arith.constant 256 : i32
      %add3A_312 = arith.addi %add3A_310, %add3A_311 : i32
      %get3A_313 = arith.index_cast %add3A_312 : i32 to index
      %get3A_314 = tpu.vector_load %arg7[%get3A_313] {strides = array<i32>} : memref<16384xf32, #tpu.memory_space<vmem>>, vector<16xf32>,
      %sub3A_315 = arith.subf %broadcast_in_dim3A_18, %get3A_314 : vector<16xf32>
      %mul3A_316 = arith.mulf %sub3A_315, %get3A_287 : vector<16xf32>
      %add3A_317 = arith.addf %get3A_314, %mul3A_316 : vector<16xf32>
      %swap3A_318 = arith.index_cast %add3A_312 : i32 to index
      %swap3A_319 = tpu.vector_load %arg7[%swap3A_318] {strides = array<i32>} : memref<16384xf32, #tpu.memory_space<vmem>>, vector<16xf32>,
      tpu.vector_store %arg7[%swap3A_318], %add3A_317 {strides = array<i32>} : memref<16384xf32, #tpu.memory_space<vmem>>, vector<16xf32>,
      %add3A_320 = arith.constant 0 : i32
      %add3A_321 = arith.addi %add3A_283, %add3A_320 : i32
      %add3A_322 = arith.constant 384 : i32
      %add3A_323 = arith.addi %add3A_321, %add3A_322 : i32
      %get3A_324 = arith.index_cast %add3A_323 : i32 to index
      %get3A_325 = tpu.vector_load %arg7[%get3A_324] {strides = array<i32>} : memref<16384xf32, #tpu.memory_space<vmem>>, vector<16xf32>,
      %sub3A_326 = arith.subf %broadcast_in_dim3A_21, %get3A_325 : vector<16xf32>
      %mul3A_327 = arith.mulf %sub3A_326, %get3A_287 : vector<16xf32>
      %add3A_328 = arith.addf %get3A_325, %mul3A_327 : vector<16xf32>
      %swap3A_329 = arith.index_cast %add3A_323 : i32 to index
      %swap3A_330 = tpu.vector_load %arg7[%swap3A_329] {strides = array<i32>} : memref<16384xf32, #tpu.memory_space<vmem>>, vector<16xf32>,
      tpu.vector_store %arg7[%swap3A_329], %add3A_328 {strides = array<i32>} : memref<16384xf32, #tpu.memory_space<vmem>>, vector<16xf32>,
      %add3A_331 = arith.constant 0 : i32
      %add3A_332 = arith.addi %add3A_283, %add3A_331 : i32
      %add3A_333 = arith.constant 512 : i32
      %add3A_334 = arith.addi %add3A_332, %add3A_333 : i32
      %get3A_335 = arith.index_cast %add3A_334 : i32 to index
      %get3A_336 = tpu.vector_load %arg7[%get3A_335] {strides = array<i32>} : memref<16384xf32, #tpu.memory_space<vmem>>, vector<16xf32>,
      %sub3A_337 = arith.subf %broadcast_in_dim3A_24, %get3A_336 : vector<16xf32>
      %mul3A_338 = arith.mulf %sub3A_337, %get3A_287 : vector<16xf32>
      %add3A_339 = arith.addf %get3A_336, %mul3A_338 : vector<16xf32>
      %swap3A_340 = arith.index_cast %add3A_334 : i32 to index
      %swap3A_341 = tpu.vector_load %arg7[%swap3A_340] {strides = array<i32>} : memref<16384xf32, #tpu.memory_space<vmem>>, vector<16xf32>,
      tpu.vector_store %arg7[%swap3A_340], %add3A_339 {strides = array<i32>} : memref<16384xf32, #tpu.memory_space<vmem>>, vector<16xf32>,
      %add3A_342 = arith.constant 0 : i32
      %add3A_343 = arith.addi %add3A_283, %add3A_342 : i32
      %add3A_344 = arith.constant 640 : i32
      %add3A_345 = arith.addi %add3A_343, %add3A_344 : i32
      %get3A_346 = arith.index_cast %add3A_345 : i32 to index
      %get3A_347 = tpu.vector_load %arg7[%get3A_346] {strides = array<i32>} : memref<16384xf32, #tpu.memory_space<vmem>>, vector<16xf32>,
      %sub3A_348 = arith.subf %broadcast_in_dim3A_27, %get3A_347 : vector<16xf32>
      %mul3A_349 = arith.mulf %sub3A_348, %get3A_287 : vector<16xf32>
      %add3A_350 = arith.addf %get3A_347, %mul3A_349 : vector<16xf32>
      %swap3A_351 = arith.index_cast %add3A_345 : i32 to index
      %swap3A_352 = tpu.vector_load %arg7[%swap3A_351] {strides = array<i32>} : memref<16384xf32, #tpu.memory_space<vmem>>, vector<16xf32>,
      tpu.vector_store %arg7[%swap3A_351], %add3A_350 {strides = array<i32>} : memref<16384xf32, #tpu.memory_space<vmem>>, vector<16xf32>,
      %add3A_353 = arith.constant 0 : i32
      %add3A_354 = arith.addi %add3A_283, %add3A_353 : i32
      %add3A_355 = arith.constant 768 : i32
      %add3A_356 = arith.addi %add3A_354, %add3A_355 : i32
      %get3A_357 = arith.index_cast %add3A_356 : i32 to index
      %get3A_358 = tpu.vector_load %arg7[%get3A_357] {strides = array<i32>} : memref<16384xf32, #tpu.memory_space<vmem>>, vector<16xf32>,
      %sub3A_359 = arith.subf %broadcast_in_dim3A_30, %get3A_358 : vector<16xf32>
      %mul3A_360 = arith.mulf %sub3A_359, %get3A_287 : vector<16xf32>
      %add3A_361 = arith.addf %get3A_358, %mul3A_360 : vector<16xf32>
      %swap3A_362 = arith.index_cast %add3A_356 : i32 to index
      %swap3A_363 = tpu.vector_load %arg7[%swap3A_362] {strides = array<i32>} : memref<16384xf32, #tpu.memory_space<vmem>>, vector<16xf32>,
      tpu.vector_store %arg7[%swap3A_362], %add3A_361 {strides = array<i32>} : memref<16384xf32, #tpu.memory_space<vmem>>, vector<16xf32>,
      %add3A_364 = arith.constant 0 : i32
      %add3A_365 = arith.addi %add3A_283, %add3A_364 : i32
      %add3A_366 = arith.constant 896 : i32
      %add3A_367 = arith.addi %add3A_365, %add3A_366 : i32
      %get3A_368 = arith.index_cast %add3A_367 : i32 to index
      %get3A_369 = tpu.vector_load %arg7[%get3A_368] {strides = array<i32>} : memref<16384xf32, #tpu.memory_space<vmem>>, vector<16xf32>,
      %sub3A_370 = arith.subf %broadcast_in_dim3A_33, %get3A_369 : vector<16xf32>
      %mul3A_371 = arith.mulf %sub3A_370, %get3A_287 : vector<16xf32>
      %add3A_372 = arith.addf %get3A_369, %mul3A_371 : vector<16xf32>
      %swap3A_373 = arith.index_cast %add3A_367 : i32 to index
      %swap3A_374 = tpu.vector_load %arg7[%swap3A_373] {strides = array<i32>} : memref<16384xf32, #tpu.memory_space<vmem>>, vector<16xf32>,
      tpu.vector_store %arg7[%swap3A_373], %add3A_372 {strides = array<i32>} : memref<16384xf32, #tpu.memory_space<vmem>>, vector<16xf32>,
      %add3A_375 = arith.constant 4096 : i32
      %add3A_376 = arith.addi %add3A_283, %add3A_375 : i32
      %add3A_377 = arith.constant 0 : i32
      %add3A_378 = arith.addi %add3A_376, %add3A_377 : i32
      %get3A_379 = arith.index_cast %add3A_378 : i32 to index
      %get3A_380 = tpu.vector_load %arg7[%get3A_379] {strides = array<i32>} : memref<16384xf32, #tpu.memory_space<vmem>>, vector<16xf32>,
      %sub3A_381 = arith.subf %broadcast_in_dim3A_36, %get3A_380 : vector<16xf32>
      %mul3A_382 = arith.mulf %sub3A_381, %get3A_287 : vector<16xf32>
      %add3A_383 = arith.addf %get3A_380, %mul3A_382 : vector<16xf32>
      %swap3A_384 = arith.index_cast %add3A_378 : i32 to index
      %swap3A_385 = tpu.vector_load %arg7[%swap3A_384] {strides = array<i32>} : memref<16384xf32, #tpu.memory_space<vmem>>, vector<16xf32>,
      tpu.vector_store %arg7[%swap3A_384], %add3A_383 {strides = array<i32>} : memref<16384xf32, #tpu.memory_space<vmem>>, vector<16xf32>,
      %add3A_386 = arith.constant 4096 : i32
      %add3A_387 = arith.addi %add3A_283, %add3A_386 : i32
      %add3A_388 = arith.constant 128 : i32
      %add3A_389 = arith.addi %add3A_387, %add3A_388 : i32
      %get3A_390 = arith.index_cast %add3A_389 : i32 to index
      %get3A_391 = tpu.vector_load %arg7[%get3A_390] {strides = array<i32>} : memref<16384xf32, #tpu.memory_space<vmem>>, vector<16xf32>,
      %sub3A_392 = arith.subf %broadcast_in_dim3A_39, %get3A_391 : vector<16xf32>
      %mul3A_393 = arith.mulf %sub3A_392, %get3A_287 : vector<16xf32>
      %add3A_394 = arith.addf %get3A_391, %mul3A_393 : vector<16xf32>
      %swap3A_395 = arith.index_cast %add3A_389 : i32 to index
      %swap3A_396 = tpu.vector_load %arg7[%swap3A_395] {strides = array<i32>} : memref<16384xf32, #tpu.memory_space<vmem>>, vector<16xf32>,
      tpu.vector_store %arg7[%swap3A_395], %add3A_394 {strides = array<i32>} : memref<16384xf32, #tpu.memory_space<vmem>>, vector<16xf32>,
      %add3A_397 = arith.constant 4096 : i32
      %add3A_398 = arith.addi %add3A_283, %add3A_397 : i32
      %add3A_399 = arith.constant 256 : i32
      %add3A_400 = arith.addi %add3A_398, %add3A_399 : i32
      %get3A_401 = arith.index_cast %add3A_400 : i32 to index
      %get3A_402 = tpu.vector_load %arg7[%get3A_401] {strides = array<i32>} : memref<16384xf32, #tpu.memory_space<vmem>>, vector<16xf32>,
      %sub3A_403 = arith.subf %broadcast_in_dim3A_42, %get3A_402 : vector<16xf32>
      %mul3A_404 = arith.mulf %sub3A_403, %get3A_287 : vector<16xf32>
      %add3A_405 = arith.addf %get3A_402, %mul3A_404 : vector<16xf32>
      %swap3A_406 = arith.index_cast %add3A_400 : i32 to index
      %swap3A_407 = tpu.vector_load %arg7[%swap3A_406] {strides = array<i32>} : memref<16384xf32, #tpu.memory_space<vmem>>, vector<16xf32>,
      tpu.vector_store %arg7[%swap3A_406], %add3A_405 {strides = array<i32>} : memref<16384xf32, #tpu.memory_space<vmem>>, vector<16xf32>,
      %add3A_408 = arith.constant 4096 : i32
      %add3A_409 = arith.addi %add3A_283, %add3A_408 : i32
      %add3A_410 = arith.constant 384 : i32
      %add3A_411 = arith.addi %add3A_409, %add3A_410 : i32
      %get3A_412 = arith.index_cast %add3A_411 : i32 to index
      %get3A_413 = tpu.vector_load %arg7[%get3A_412] {strides = array<i32>} : memref<16384xf32, #tpu.memory_space<vmem>>, vector<16xf32>,
      %sub3A_414 = arith.subf %broadcast_in_dim3A_45, %get3A_413 : vector<16xf32>
      %mul3A_415 = arith.mulf %sub3A_414, %get3A_287 : vector<16xf32>
      %add3A_416 = arith.addf %get3A_413, %mul3A_415 : vector<16xf32>
      %swap3A_417 = arith.index_cast %add3A_411 : i32 to index
      %swap3A_418 = tpu.vector_load %arg7[%swap3A_417] {strides = array<i32>} : memref<16384xf32, #tpu.memory_space<vmem>>, vector<16xf32>,
      tpu.vector_store %arg7[%swap3A_417], %add3A_416 {strides = array<i32>} : memref<16384xf32, #tpu.memory_space<vmem>>, vector<16xf32>,
      %add3A_419 = arith.constant 4096 : i32
      %add3A_420 = arith.addi %add3A_283, %add3A_419 : i32
      %add3A_421 = arith.constant 512 : i32
      %add3A_422 = arith.addi %add3A_420, %add3A_421 : i32
      %get3A_423 = arith.index_cast %add3A_422 : i32 to index
      %get3A_424 = tpu.vector_load %arg7[%get3A_423] {strides = array<i32>} : memref<16384xf32, #tpu.memory_space<vmem>>, vector<16xf32>,
      %sub3A_425 = arith.subf %broadcast_in_dim3A_48, %get3A_424 : vector<16xf32>
      %mul3A_426 = arith.mulf %sub3A_425, %get3A_287 : vector<16xf32>
      %add3A_427 = arith.addf %get3A_424, %mul3A_426 : vector<16xf32>
      %swap3A_428 = arith.index_cast %add3A_422 : i32 to index
      %swap3A_429 = tpu.vector_load %arg7[%swap3A_428] {strides = array<i32>} : memref<16384xf32, #tpu.memory_space<vmem>>, vector<16xf32>,
      tpu.vector_store %arg7[%swap3A_428], %add3A_427 {strides = array<i32>} : memref<16384xf32, #tpu.memory_space<vmem>>, vector<16xf32>,
      %add3A_430 = arith.constant 4096 : i32
      %add3A_431 = arith.addi %add3A_283, %add3A_430 : i32
      %add3A_432 = arith.constant 640 : i32
      %add3A_433 = arith.addi %add3A_431, %add3A_432 : i32
      %get3A_434 = arith.index_cast %add3A_433 : i32 to index
      %get3A_435 = tpu.vector_load %arg7[%get3A_434] {strides = array<i32>} : memref<16384xf32, #tpu.memory_space<vmem>>, vector<16xf32>,
      %sub3A_436 = arith.subf %broadcast_in_dim3A_51, %get3A_435 : vector<16xf32>
      %mul3A_437 = arith.mulf %sub3A_436, %get3A_287 : vector<16xf32>
      %add3A_438 = arith.addf %get3A_435, %mul3A_437 : vector<16xf32>
      %swap3A_439 = arith.index_cast %add3A_433 : i32 to index
      %swap3A_440 = tpu.vector_load %arg7[%swap3A_439] {strides = array<i32>} : memref<16384xf32, #tpu.memory_space<vmem>>, vector<16xf32>,
      tpu.vector_store %arg7[%swap3A_439], %add3A_438 {strides = array<i32>} : memref<16384xf32, #tpu.memory_space<vmem>>, vector<16xf32>,
      %add3A_441 = arith.constant 4096 : i32
      %add3A_442 = arith.addi %add3A_283, %add3A_441 : i32
      %add3A_443 = arith.constant 768 : i32
      %add3A_444 = arith.addi %add3A_442, %add3A_443 : i32
      %get3A_445 = arith.index_cast %add3A_444 : i32 to index
      %get3A_446 = tpu.vector_load %arg7[%get3A_445] {strides = array<i32>} : memref<16384xf32, #tpu.memory_space<vmem>>, vector<16xf32>,
      %sub3A_447 = arith.subf %broadcast_in_dim3A_54, %get3A_446 : vector<16xf32>
      %mul3A_448 = arith.mulf %sub3A_447, %get3A_287 : vector<16xf32>
      %add3A_449 = arith.addf %get3A_446, %mul3A_448 : vector<16xf32>
      %swap3A_450 = arith.index_cast %add3A_444 : i32 to index
      %swap3A_451 = tpu.vector_load %arg7[%swap3A_450] {strides = array<i32>} : memref<16384xf32, #tpu.memory_space<vmem>>, vector<16xf32>,
      tpu.vector_store %arg7[%swap3A_450], %add3A_449 {strides = array<i32>} : memref<16384xf32, #tpu.memory_space<vmem>>, vector<16xf32>,
      %add3A_452 = arith.constant 4096 : i32
      %add3A_453 = arith.addi %add3A_283, %add3A_452 : i32
      %add3A_454 = arith.constant 896 : i32
      %add3A_455 = arith.addi %add3A_453, %add3A_454 : i32
      %get3A_456 = arith.index_cast %add3A_455 : i32 to index
      %get3A_457 = tpu.vector_load %arg7[%get3A_456] {strides = array<i32>} : memref<16384xf32, #tpu.memory_space<vmem>>, vector<16xf32>,
      %sub3A_458 = arith.subf %broadcast_in_dim3A_57, %get3A_457 : vector<16xf32>
      %mul3A_459 = arith.mulf %sub3A_458, %get3A_287 : vector<16xf32>
      %add3A_460 = arith.addf %get3A_457, %mul3A_459 : vector<16xf32>
      %swap3A_461 = arith.index_cast %add3A_455 : i32 to index
      %swap3A_462 = tpu.vector_load %arg7[%swap3A_461] {strides = array<i32>} : memref<16384xf32, #tpu.memory_space<vmem>>, vector<16xf32>,
      tpu.vector_store %arg7[%swap3A_461], %add3A_460 {strides = array<i32>} : memref<16384xf32, #tpu.memory_space<vmem>>, vector<16xf32>,
      %add3A_463 = arith.constant 8192 : i32
      %add3A_464 = arith.addi %add3A_283, %add3A_463 : i32
      %add3A_465 = arith.constant 0 : i32
      %add3A_466 = arith.addi %add3A_464, %add3A_465 : i32
      %get3A_467 = arith.index_cast %add3A_466 : i32 to index
      %get3A_468 = tpu.vector_load %arg7[%get3A_467] {strides = array<i32>} : memref<16384xf32, #tpu.memory_space<vmem>>, vector<16xf32>,
      %sub3A_469 = arith.subf %broadcast_in_dim3A_60, %get3A_468 : vector<16xf32>
      %mul3A_470 = arith.mulf %sub3A_469, %get3A_287 : vector<16xf32>
      %add3A_471 = arith.addf %get3A_468, %mul3A_470 : vector<16xf32>
      %swap3A_472 = arith.index_cast %add3A_466 : i32 to index
      %swap3A_473 = tpu.vector_load %arg7[%swap3A_472] {strides = array<i32>} : memref<16384xf32, #tpu.memory_space<vmem>>, vector<16xf32>,
      tpu.vector_store %arg7[%swap3A_472], %add3A_471 {strides = array<i32>} : memref<16384xf32, #tpu.memory_space<vmem>>, vector<16xf32>,
      %add3A_474 = arith.constant 8192 : i32
      %add3A_475 = arith.addi %add3A_283, %add3A_474 : i32
      %add3A_476 = arith.constant 128 : i32
      %add3A_477 = arith.addi %add3A_475, %add3A_476 : i32
      %get3A_478 = arith.index_cast %add3A_477 : i32 to index
      %get3A_479 = tpu.vector_load %arg7[%get3A_478] {strides = array<i32>} : memref<16384xf32, #tpu.memory_space<vmem>>, vector<16xf32>,
      %sub3A_480 = arith.subf %broadcast_in_dim3A_63, %get3A_479 : vector<16xf32>
      %mul3A_481 = arith.mulf %sub3A_480, %get3A_287 : vector<16xf32>
      %add3A_482 = arith.addf %get3A_479, %mul3A_481 : vector<16xf32>
      %swap3A_483 = arith.index_cast %add3A_477 : i32 to index
      %swap3A_484 = tpu.vector_load %arg7[%swap3A_483] {strides = array<i32>} : memref<16384xf32, #tpu.memory_space<vmem>>, vector<16xf32>,
      tpu.vector_store %arg7[%swap3A_483], %add3A_482 {strides = array<i32>} : memref<16384xf32, #tpu.memory_space<vmem>>, vector<16xf32>,
      %add3A_485 = arith.constant 8192 : i32
      %add3A_486 = arith.addi %add3A_283, %add3A_485 : i32
      %add3A_487 = arith.constant 256 : i32
      %add3A_488 = arith.addi %add3A_486, %add3A_487 : i32
      %get3A_489 = arith.index_cast %add3A_488 : i32 to index
      %get3A_490 = tpu.vector_load %arg7[%get3A_489] {strides = array<i32>} : memref<16384xf32, #tpu.memory_space<vmem>>, vector<16xf32>,
      %sub3A_491 = arith.subf %broadcast_in_dim3A_66, %get3A_490 : vector<16xf32>
      %mul3A_492 = arith.mulf %sub3A_491, %get3A_287 : vector<16xf32>
      %add3A_493 = arith.addf %get3A_490, %mul3A_492 : vector<16xf32>
      %swap3A_494 = arith.index_cast %add3A_488 : i32 to index
      %swap3A_495 = tpu.vector_load %arg7[%swap3A_494] {strides = array<i32>} : memref<16384xf32, #tpu.memory_space<vmem>>, vector<16xf32>,
      tpu.vector_store %arg7[%swap3A_494], %add3A_493 {strides = array<i32>} : memref<16384xf32, #tpu.memory_space<vmem>>, vector<16xf32>,
      %add3A_496 = arith.constant 8192 : i32
      %add3A_497 = arith.addi %add3A_283, %add3A_496 : i32
      %add3A_498 = arith.constant 384 : i32
      %add3A_499 = arith.addi %add3A_497, %add3A_498 : i32
      %get3A_500 = arith.index_cast %add3A_499 : i32 to index
      %get3A_501 = tpu.vector_load %arg7[%get3A_500] {strides = array<i32>} : memref<16384xf32, #tpu.memory_space<vmem>>, vector<16xf32>,
      %sub3A_502 = arith.subf %broadcast_in_dim3A_69, %get3A_501 : vector<16xf32>
      %mul3A_503 = arith.mulf %sub3A_502, %get3A_287 : vector<16xf32>
      %add3A_504 = arith.addf %get3A_501, %mul3A_503 : vector<16xf32>
      %swap3A_505 = arith.index_cast %add3A_499 : i32 to index
      %swap3A_506 = tpu.vector_load %arg7[%swap3A_505] {strides = array<i32>} : memref<16384xf32, #tpu.memory_space<vmem>>, vector<16xf32>,
      tpu.vector_store %arg7[%swap3A_505], %add3A_504 {strides = array<i32>} : memref<16384xf32, #tpu.memory_space<vmem>>, vector<16xf32>,
      %add3A_507 = arith.constant 8192 : i32
      %add3A_508 = arith.addi %add3A_283, %add3A_507 : i32
      %add3A_509 = arith.constant 512 : i32
      %add3A_510 = arith.addi %add3A_508, %add3A_509 : i32
      %get3A_511 = arith.index_cast %add3A_510 : i32 to index
      %get3A_512 = tpu.vector_load %arg7[%get3A_511] {strides = array<i32>} : memref<16384xf32, #tpu.memory_space<vmem>>, vector<16xf32>,
      %sub3A_513 = arith.subf %broadcast_in_dim3A_72, %get3A_512 : vector<16xf32>
      %mul3A_514 = arith.mulf %sub3A_513, %get3A_287 : vector<16xf32>
      %add3A_515 = arith.addf %get3A_512, %mul3A_514 : vector<16xf32>
      %swap3A_516 = arith.index_cast %add3A_510 : i32 to index
      %swap3A_517 = tpu.vector_load %arg7[%swap3A_516] {strides = array<i32>} : memref<16384xf32, #tpu.memory_space<vmem>>, vector<16xf32>,
      tpu.vector_store %arg7[%swap3A_516], %add3A_515 {strides = array<i32>} : memref<16384xf32, #tpu.memory_space<vmem>>, vector<16xf32>,
      %add3A_518 = arith.constant 8192 : i32
      %add3A_519 = arith.addi %add3A_283, %add3A_518 : i32
      %add3A_520 = arith.constant 640 : i32
      %add3A_521 = arith.addi %add3A_519, %add3A_520 : i32
      %get3A_522 = arith.index_cast %add3A_521 : i32 to index
      %get3A_523 = tpu.vector_load %arg7[%get3A_522] {strides = array<i32>} : memref<16384xf32, #tpu.memory_space<vmem>>, vector<16xf32>,
      %sub3A_524 = arith.subf %broadcast_in_dim3A_75, %get3A_523 : vector<16xf32>
      %mul3A_525 = arith.mulf %sub3A_524, %get3A_287 : vector<16xf32>
      %add3A_526 = arith.addf %get3A_523, %mul3A_525 : vector<16xf32>
      %swap3A_527 = arith.index_cast %add3A_521 : i32 to index
      %swap3A_528 = tpu.vector_load %arg7[%swap3A_527] {strides = array<i32>} : memref<16384xf32, #tpu.memory_space<vmem>>, vector<16xf32>,
      tpu.vector_store %arg7[%swap3A_527], %add3A_526 {strides = array<i32>} : memref<16384xf32, #tpu.memory_space<vmem>>, vector<16xf32>,
      %add3A_529 = arith.constant 8192 : i32
      %add3A_530 = arith.addi %add3A_283, %add3A_529 : i32
      %add3A_531 = arith.constant 768 : i32
      %add3A_532 = arith.addi %add3A_530, %add3A_531 : i32
      %get3A_533 = arith.index_cast %add3A_532 : i32 to index
      %get3A_534 = tpu.vector_load %arg7[%get3A_533] {strides = array<i32>} : memref<16384xf32, #tpu.memory_space<vmem>>, vector<16xf32>,
      %sub3A_535 = arith.subf %broadcast_in_dim3A_78, %get3A_534 : vector<16xf32>
      %mul3A_536 = arith.mulf %sub3A_535, %get3A_287 : vector<16xf32>
      %add3A_537 = arith.addf %get3A_534, %mul3A_536 : vector<16xf32>
      %swap3A_538 = arith.index_cast %add3A_532 : i32 to index
      %swap3A_539 = tpu.vector_load %arg7[%swap3A_538] {strides = array<i32>} : memref<16384xf32, #tpu.memory_space<vmem>>, vector<16xf32>,
      tpu.vector_store %arg7[%swap3A_538], %add3A_537 {strides = array<i32>} : memref<16384xf32, #tpu.memory_space<vmem>>, vector<16xf32>,
      %add3A_540 = arith.constant 8192 : i32
      %add3A_541 = arith.addi %add3A_283, %add3A_540 : i32
      %add3A_542 = arith.constant 896 : i32
      %add3A_543 = arith.addi %add3A_541, %add3A_542 : i32
      %get3A_544 = arith.index_cast %add3A_543 : i32 to index
      %get3A_545 = tpu.vector_load %arg7[%get3A_544] {strides = array<i32>} : memref<16384xf32, #tpu.memory_space<vmem>>, vector<16xf32>,
      %sub3A_546 = arith.subf %broadcast_in_dim3A_81, %get3A_545 : vector<16xf32>
      %mul3A_547 = arith.mulf %sub3A_546, %get3A_287 : vector<16xf32>
      %add3A_548 = arith.addf %get3A_545, %mul3A_547 : vector<16xf32>
      %swap3A_549 = arith.index_cast %add3A_543 : i32 to index
      %swap3A_550 = tpu.vector_load %arg7[%swap3A_549] {strides = array<i32>} : memref<16384xf32, #tpu.memory_space<vmem>>, vector<16xf32>,
      tpu.vector_store %arg7[%swap3A_549], %add3A_548 {strides = array<i32>} : memref<16384xf32, #tpu.memory_space<vmem>>, vector<16xf32>,
      %add3A_551 = arith.constant 12288 : i32
      %add3A_552 = arith.addi %add3A_283, %add3A_551 : i32
      %add3A_553 = arith.constant 0 : i32
      %add3A_554 = arith.addi %add3A_552, %add3A_553 : i32
      %get3A_555 = arith.index_cast %add3A_554 : i32 to index
      %get3A_556 = tpu.vector_load %arg7[%get3A_555] {strides = array<i32>} : memref<16384xf32, #tpu.memory_space<vmem>>, vector<16xf32>,
      %sub3A_557 = arith.subf %broadcast_in_dim3A_84, %get3A_556 : vector<16xf32>
      %mul3A_558 = arith.mulf %sub3A_557, %get3A_287 : vector<16xf32>
      %add3A_559 = arith.addf %get3A_556, %mul3A_558 : vector<16xf32>
      %swap3A_560 = arith.index_cast %add3A_554 : i32 to index
      %swap3A_561 = tpu.vector_load %arg7[%swap3A_560] {strides = array<i32>} : memref<16384xf32, #tpu.memory_space<vmem>>, vector<16xf32>,
      tpu.vector_store %arg7[%swap3A_560], %add3A_559 {strides = array<i32>} : memref<16384xf32, #tpu.memory_space<vmem>>, vector<16xf32>,
      %add3A_562 = arith.constant 12288 : i32
      %add3A_563 = arith.addi %add3A_283, %add3A_562 : i32
      %add3A_564 = arith.constant 128 : i32
      %add3A_565 = arith.addi %add3A_563, %add3A_564 : i32
      %get3A_566 = arith.index_cast %add3A_565 : i32 to index
      %get3A_567 = tpu.vector_load %arg7[%get3A_566] {strides = array<i32>} : memref<16384xf32, #tpu.memory_space<vmem>>, vector<16xf32>,
      %sub3A_568 = arith.subf %broadcast_in_dim3A_87, %get3A_567 : vector<16xf32>
      %mul3A_569 = arith.mulf %sub3A_568, %get3A_287 : vector<16xf32>
      %add3A_570 = arith.addf %get3A_567, %mul3A_569 : vector<16xf32>
      %swap3A_571 = arith.index_cast %add3A_565 : i32 to index
      %swap3A_572 = tpu.vector_load %arg7[%swap3A_571] {strides = array<i32>} : memref<16384xf32, #tpu.memory_space<vmem>>, vector<16xf32>,
      tpu.vector_store %arg7[%swap3A_571], %add3A_570 {strides = array<i32>} : memref<16384xf32, #tpu.memory_space<vmem>>, vector<16xf32>,
      %add3A_573 = arith.constant 12288 : i32
      %add3A_574 = arith.addi %add3A_283, %add3A_573 : i32
      %add3A_575 = arith.constant 256 : i32
      %add3A_576 = arith.addi %add3A_574, %add3A_575 : i32
      %get3A_577 = arith.index_cast %add3A_576 : i32 to index
      %get3A_578 = tpu.vector_load %arg7[%get3A_577] {strides = array<i32>} : memref<16384xf32, #tpu.memory_space<vmem>>, vector<16xf32>,
      %sub3A_579 = arith.subf %broadcast_in_dim3A_90, %get3A_578 : vector<16xf32>
      %mul3A_580 = arith.mulf %sub3A_579, %get3A_287 : vector<16xf32>
      %add3A_581 = arith.addf %get3A_578, %mul3A_580 : vector<16xf32>
      %swap3A_582 = arith.index_cast %add3A_576 : i32 to index
      %swap3A_583 = tpu.vector_load %arg7[%swap3A_582] {strides = array<i32>} : memref<16384xf32, #tpu.memory_space<vmem>>, vector<16xf32>,
      tpu.vector_store %arg7[%swap3A_582], %add3A_581 {strides = array<i32>} : memref<16384xf32, #tpu.memory_space<vmem>>, vector<16xf32>,
      %add3A_584 = arith.constant 12288 : i32
      %add3A_585 = arith.addi %add3A_283, %add3A_584 : i32
      %add3A_586 = arith.constant 384 : i32
      %add3A_587 = arith.addi %add3A_585, %add3A_586 : i32
      %get3A_588 = arith.index_cast %add3A_587 : i32 to index
      %get3A_589 = tpu.vector_load %arg7[%get3A_588] {strides = array<i32>} : memref<16384xf32, #tpu.memory_space<vmem>>, vector<16xf32>,
      %sub3A_590 = arith.subf %broadcast_in_dim3A_93, %get3A_589 : vector<16xf32>
      %mul3A_591 = arith.mulf %sub3A_590, %get3A_287 : vector<16xf32>
      %add3A_592 = arith.addf %get3A_589, %mul3A_591 : vector<16xf32>
      %swap3A_593 = arith.index_cast %add3A_587 : i32 to index
      %swap3A_594 = tpu.vector_load %arg7[%swap3A_593] {strides = array<i32>} : memref<16384xf32, #tpu.memory_space<vmem>>, vector<16xf32>,
      tpu.vector_store %arg7[%swap3A_593], %add3A_592 {strides = array<i32>} : memref<16384xf32, #tpu.memory_space<vmem>>, vector<16xf32>,
      %add3A_595 = arith.constant 12288 : i32
      %add3A_596 = arith.addi %add3A_283, %add3A_595 : i32
      %add3A_597 = arith.constant 512 : i32
      %add3A_598 = arith.addi %add3A_596, %add3A_597 : i32
      %get3A_599 = arith.index_cast %add3A_598 : i32 to index
      %get3A_600 = tpu.vector_load %arg7[%get3A_599] {strides = array<i32>} : memref<16384xf32, #tpu.memory_space<vmem>>, vector<16xf32>,
      %sub3A_601 = arith.subf %broadcast_in_dim3A_96, %get3A_600 : vector<16xf32>
      %mul3A_602 = arith.mulf %sub3A_601, %get3A_287 : vector<16xf32>
      %add3A_603 = arith.addf %get3A_600, %mul3A_602 : vector<16xf32>
      %swap3A_604 = arith.index_cast %add3A_598 : i32 to index
      %swap3A_605 = tpu.vector_load %arg7[%swap3A_604] {strides = array<i32>} : memref<16384xf32, #tpu.memory_space<vmem>>, vector<16xf32>,
      tpu.vector_store %arg7[%swap3A_604], %add3A_603 {strides = array<i32>} : memref<16384xf32, #tpu.memory_space<vmem>>, vector<16xf32>,
      %add3A_606 = arith.constant 12288 : i32
      %add3A_607 = arith.addi %add3A_283, %add3A_606 : i32
      %add3A_608 = arith.constant 640 : i32
      %add3A_609 = arith.addi %add3A_607, %add3A_608 : i32
      %get3A_610 = arith.index_cast %add3A_609 : i32 to index
      %get3A_611 = tpu.vector_load %arg7[%get3A_610] {strides = array<i32>} : memref<16384xf32, #tpu.memory_space<vmem>>, vector<16xf32>,
      %sub3A_612 = arith.subf %broadcast_in_dim3A_99, %get3A_611 : vector<16xf32>
      %mul3A_613 = arith.mulf %sub3A_612, %get3A_287 : vector<16xf32>
      %add3A_614 = arith.addf %get3A_611, %mul3A_613 : vector<16xf32>
      %swap3A_615 = arith.index_cast %add3A_609 : i32 to index
      %swap3A_616 = tpu.vector_load %arg7[%swap3A_615] {strides = array<i32>} : memref<16384xf32, #tpu.memory_space<vmem>>, vector<16xf32>,
      tpu.vector_store %arg7[%swap3A_615], %add3A_614 {strides = array<i32>} : memref<16384xf32, #tpu.memory_space<vmem>>, vector<16xf32>,
      %add3A_617 = arith.constant 12288 : i32
      %add3A_618 = arith.addi %add3A_283, %add3A_617 : i32
      %add3A_619 = arith.constant 768 : i32
      %add3A_620 = arith.addi %add3A_618, %add3A_619 : i32
      %get3A_621 = arith.index_cast %add3A_620 : i32 to index
      %get3A_622 = tpu.vector_load %arg7[%get3A_621] {strides = array<i32>} : memref<16384xf32, #tpu.memory_space<vmem>>, vector<16xf32>,
      %sub3A_623 = arith.subf %broadcast_in_dim3A_102, %get3A_622 : vector<16xf32>
      %mul3A_624 = arith.mulf %sub3A_623, %get3A_287 : vector<16xf32>
      %add3A_625 = arith.addf %get3A_622, %mul3A_624 : vector<16xf32>
      %swap3A_626 = arith.index_cast %add3A_620 : i32 to index
      %swap3A_627 = tpu.vector_load %arg7[%swap3A_626] {strides = array<i32>} : memref<16384xf32, #tpu.memory_space<vmem>>, vector<16xf32>,
      tpu.vector_store %arg7[%swap3A_626], %add3A_625 {strides = array<i32>} : memref<16384xf32, #tpu.memory_space<vmem>>, vector<16xf32>,
      %add3A_628 = arith.constant 12288 : i32
      %add3A_629 = arith.addi %add3A_283, %add3A_628 : i32
      %add3A_630 = arith.constant 896 : i32
      %add3A_631 = arith.addi %add3A_629, %add3A_630 : i32
      %get3A_632 = arith.index_cast %add3A_631 : i32 to index
      %get3A_633 = tpu.vector_load %arg7[%get3A_632] {strides = array<i32>} : memref<16384xf32, #tpu.memory_space<vmem>>, vector<16xf32>,
      %sub3A_634 = arith.subf %broadcast_in_dim3A_105, %get3A_633 : vector<16xf32>
      %mul3A_635 = arith.mulf %sub3A_634, %get3A_287 : vector<16xf32>
      %add3A_636 = arith.addf %get3A_633, %mul3A_635 : vector<16xf32>
      %swap3A_637 = arith.index_cast %add3A_631 : i32 to index
      %swap3A_638 = tpu.vector_load %arg7[%swap3A_637] {strides = array<i32>} : memref<16384xf32, #tpu.memory_space<vmem>>, vector<16xf32>,
      tpu.vector_store %arg7[%swap3A_637], %add3A_636 {strides = array<i32>} : memref<16384xf32, #tpu.memory_space<vmem>>, vector<16xf32>,
      %scan3A_639 = arith.constant 0 : i32
      scf.yield %scan3A_639 : i32
    }
    %scan3A_261 = arith.constant 32 : i32
    %scan3A_262 = arith.constant 0 : i32
    %scan3A_263 = arith.constant 0 : i32
    %scan3A_264 = arith.constant 16 : i32
    %scan3A_265 = arith.addi %scan3A_263, %scan3A_264 : i32
    %scan3A_266 = arith.constant 1 : i32
    %scan3A_267 = scf.for %scan3A_273 = %scan3A_263 to %scan3A_265 step %scan3A_266 iter_args(%scan3A_274 = %scan3A_262) -> (i32)  : i32 {
      %shift_right_arithmetic3A_275 = arith.constant 2 : i32
      %shift_right_arithmetic3A_276 = arith.shrsi %scan3A_273, %shift_right_arithmetic3A_275 : i32
      %and3A_277 = arith.constant 3 : i32
      %and3A_278 = arith.andi %scan3A_273, %and3A_277 : i32
      %mul3A_279 = arith.constant 1024 : i32
      %mul3A_280 = arith.muli %scan3A_273, %mul3A_279 : i32
      %mul3A_281 = arith.constant 65536 : i32
      %mul3A_282 = arith.muli %shift_right_arithmetic3A_276, %mul3A_281 : i32
      %mul3A_283 = arith.constant 4 : i32
      %mul3A_284 = arith.muli %arg1, %mul3A_283 : i32
      %add3A_285 = arith.addi %mul3A_284, %and3A_278 : i32
      %mul3A_286 = arith.constant 1024 : i32
      %mul3A_287 = arith.muli %add3A_285, %mul3A_286 : i32
      %add3A_288 = arith.addi %mul3A_282, %mul3A_287 : i32
      %dma_start3A_289 = tpu.memref_slice %arg7[%mul3A_280] : memref<16384xf32, #tpu.memory_space<vmem>> -> memref<1024xf32, #tpu.memory_space<vmem>>
      %dma_start3A_290 = tpu.memref_slice %arg6[%add3A_288] : memref<262144xf32, #tpu.memory_space<hbm>> -> memref<1024xf32, #tpu.memory_space<hbm>>
      %dma_start3A_291 = tpu.memref_slice %arg6[%add3A_288] : memref<262144xf32, #tpu.memory_space<hbm>> -> memref<1024xf32, #tpu.memory_space<hbm>>
      %dma_start3A_292 = tpu.memref_slice %arg7[%mul3A_280] : memref<16384xf32, #tpu.memory_space<vmem>> -> memref<1024xf32, #tpu.memory_space<vmem>>
      tpu.enqueue_dma source(%dma_start3A_292 : memref<1024xf32, #tpu.memory_space<vmem>>) target(%dma_start3A_291 : memref<1024xf32, #tpu.memory_space<hbm>>) target_semaphore(%arg19 : memref<!tpu.dma_semaphore, #tpu.memory_space<semaphore_mem>>)
      %scan3A_293 = arith.constant 0 : i32
      scf.yield %scan3A_293 : i32
    }
    %scan3A_268 = arith.constant 16 : i32
    %dma_wait3A_269 = arith.constant 0 : i32
    %dma_wait3A_270 = tpu.memref_slice %arg6[%dma_wait3A_269] : memref<262144xf32, #tpu.memory_space<hbm>> -> memref<16384xf32, #tpu.memory_space<hbm>>
    %dma_wait3A_271 = arith.constant 0 : i32
    %dma_wait3A_272 = tpu.memref_slice %arg6[%dma_wait3A_271] : memref<262144xf32, #tpu.memory_space<hbm>> -> memref<16384xf32, #tpu.memory_space<hbm>>
    tpu.wait_dma2 semaphore(%arg19 : memref<!tpu.dma_semaphore, #tpu.memory_space<semaphore_mem>>) src(%arg7 : memref<16384xf32, #tpu.memory_space<vmem>>) dst(%dma_wait3A_272 : memref<16384xf32, #tpu.memory_space<hbm>>)
    return
  }
}

</mosaic_0001>

<sc_bundles>
// kernel: kernel.3.cloned.1.call-start
scs
__scs_entry_jumppad:
0x0: {  	(pc) =	sbr.rel $0x88, $3  }
0x1: {  	(tag) =	ssettag $0x0;
	lr =	simm.s32 $0x1  }
0x2: {  	[smem:$0x3F9C] =	sst lr;
	_ =	strace $0xD0000000  }
0x3: {  	_ = 	snop  }
0x4: {  	_ = 	snop  }
0x5: {  	_ = 	snop  }
0x6: {  	_ = 	snop  }
0x7: {  	_ = 	snop  }
__scs_overlays_trampoline_lowered:
0x8: {  	[smem:$0x3FAB] =	sst s0  }
0x9: {  	[smem:$0x3FAC] =	sst s1  }
0xa: {  	[smem:$0x3FAD] =	sst s2  }
0xb: {  	[smem:$0x3FAE] =	sst s3  }
0xc: {  	[smem:$0x3FAF] =	sst s4  }
0xd: {  	[smem:$0x3FB0] =	sst s5  }
0xe: {  	[smem:$0x3FB1] =	sst s6  }
0xf: {  	[smem:$0x3FB2] =	sst s7  }
0x10: {  	[smem:$0x3FB3] =	sst s8  }
0x11: {  	[smem:$0x3FB4] =	sst s9;
	s0 =	simm.s32 @!p0 $0x0  }
0x12: {  	s1 =	sld [smem:$0x3F9A];
	s0 =	simm.s32 @p0 $0x1  }
0x13: {  	[smem:$0x3FB5] =	sst s0;
	s0 =	simm.s32 @!p1 $0x0  }
0x14: {  	s2 =	sld [smem:$0x3F99];
	s0 =	simm.s32 @p1 $0x1  }
0x15: {  	[smem:$0x3FB6] =	sst s0;
	s0 =	simm.s32 @!p2 $0x0  }
0x16: {  	s3 =	sld [smem:$0x3FDB];
	s0 =	simm.s32 @p2 $0x1  }
0x17: {  	s4 =	simm.s32 $0x1BF5;
	[smem:$0x3FB8] =	sst s0  }
0x18: {  	s0 =	sld [smem:$0x3F9B];
	_ =	swait.ge [sflag:s4], $0x0  }
0x19: {  	s7 =	sld [smem:$0x3F9C]  }
0x1a: {  	s8 =	sadd.s32 $0xFFFFE003, lr  }
0x1b: {  	s9 =	sadd.s32 $0xFFFFFEF7, lr;
	s5 =	simm.s32 $0xFFFFFFFF;
	p2 =	slt.u32 s8, $0xFFFFF086  }
0x1c: {  	p1 =	slt.u32 s9, $0xF7A;
	s5 =	simm.s32 @!p2 $0x0  }
0x1d: {  	s5 =	simm.s32 @p1 $0x1;
	p0 =	seq.s32 s7, s2  }
0x1e: {  	s7 =	smul.u32 @!p0 $0xF7A, s2;
	p2 =	seq.s32 @!p0 s5, $0x0  }
0x1f: {  	s9 =	smul.u32 $0xF7A, s1;
	s8 =	simm.s32 @!p0 $0x1BF5;
	p2 =	por !p2, p0  }
0x20: {  	[sflag:s8] =	ssyncset.s32 @!p0 $0xFFFFF086;
	s6 =	sadd.s32 @!p0 s3, s7;
	s7 =	simm.s32 @!p0 $0x108  }
0x21: {  	s3 =	sadd.s32 s3, s9;
	s6 =	sadd.s32 @!p0 $0x88, s6;
	s7 =	simm.s32 @p2 $0x1082  }
0x22: {  	[simem:s7], [sflag:s8] =	dma.local @!p0 [hbm:s6], $0xF7A  }
0x23: {  	s9 =	sor.u32 $0xD0000000, s2;
	s6 =	simm.s32 $0x108;
	_ =	swait.ge @!p0 [sflag:s8], $0x0  }
0x24: {  	s3 =	sadd.s32 $0x88, s3;
	s6 =	simm.s32 @!p1 $0x1082;
	[sflag:s4] =	ssyncset.s32 $0xFFFFF086  }
0x25: {  	[simem:s6], [sflag:s4] =	dma.local [hbm:s3], $0xF7A  }
0x26: {  	[smem:$0x3F9C] =	sst s1;
	(tag) =	ssettag s2;
	_ =	strace s9  }
0x27: {  	s1 =	sld [smem:$0x3FAC]  }
0x28: {  	s2 =	sld [smem:$0x3FAD]  }
0x29: {  	s4 =	sld [smem:$0x3FAF]  }
0x2a: {  	p0 =	seq.s32 s5, $0x0;
	s5 =	sld [smem:$0x3FB0]  }
0x2b: {  	s6 =	sld [smem:$0x3FB1]  }
0x2c: {  	s7 =	sld [smem:$0x3FB2]  }
0x2d: {  	s3 =	simm.s32 $0x108;
	s8 =	sld [smem:$0x3FB3]  }
0x2e: {  	s3 =	simm.s32 @!p0 $0x1082;
	s9 =	sld [smem:$0x3FB4]  }
0x2f: {  	lr =	sadd.s32 s0, s3;
	s0 =	sld [smem:$0x3FAB]  }
0x30: {  	s3 =	sld [smem:$0x3FAE]  }
0x31: {  	[smem:$0x3FB7] =	sst s10  }
0x32: {  	s10 =	sld [smem:$0x3FB5];
	_ =	sdelay $0x3  }
0x33: {  	p0 =	seq.s32 s10, $0x1;
	s10 =	sld [smem:$0x3FB7];
	_ =	sdelay $0x3  }
0x34: {  	[smem:$0x3FB7] =	sst s10  }
0x35: {  	s10 =	sld [smem:$0x3FB6];
	_ =	sdelay $0x3  }
0x36: {  	p1 =	seq.s32 s10, $0x1;
	s10 =	sld [smem:$0x3FB7];
	_ =	sdelay $0x3  }
0x37: {  	[smem:$0x3FB7] =	sst s10  }
0x38: {  	s10 =	sld [smem:$0x3FB8]  }
0x39: {  	_ = 	snop;
	(pc) =	sbr.ind lr, $3  }
0x3a: {  	_ = 	snop  }
0x3b: {  	_ = 	snop  }
0x3c: {  	p2 =	seq.s32 s10, $0x1;
	s10 =	sld [smem:$0x3FB7]  }
0x3d: {  	_ =	shalt  }
0x3e: {  	_ =	shalt  }
0x3f: {  	_ =	shalt  }
0x40: {  	_ =	shalt  }
0x41: {  	_ =	shalt  }
0x42: {  	_ =	shalt  }
0x43: {  	_ =	shalt  }
0x44: {  	_ =	shalt  }
0x45: {  	_ =	shalt  }
0x46: {  	_ =	shalt  }
0x47: {  	_ =	shalt  }
0x48: {  	_ =	shalt  }
0x49: {  	_ =	shalt  }
0x4a: {  	_ =	shalt  }
0x4b: {  	_ =	shalt  }
0x4c: {  	_ =	shalt  }
0x4d: {  	_ =	shalt  }
0x4e: {  	_ =	shalt  }
0x4f: {  	_ =	shalt  }
0x50: {  	_ =	shalt  }
0x51: {  	_ =	shalt  }
0x52: {  	_ =	shalt  }
0x53: {  	_ =	shalt  }
0x54: {  	_ =	shalt  }
0x55: {  	_ =	shalt  }
0x56: {  	_ =	shalt  }
0x57: {  	_ =	shalt  }
0x58: {  	_ =	shalt  }
0x59: {  	_ =	shalt  }
0x5a: {  	_ =	shalt  }
0x5b: {  	_ =	shalt  }
0x5c: {  	_ =	shalt  }
0x5d: {  	_ =	shalt  }
0x5e: {  	_ =	shalt  }
0x5f: {  	_ =	shalt  }
0x60: {  	_ =	shalt  }
0x61: {  	_ =	shalt  }
0x62: {  	_ =	shalt  }
0x63: {  	_ =	shalt  }
0x64: {  	_ =	shalt  }
0x65: {  	_ =	shalt  }
0x66: {  	_ =	shalt  }
0x67: {  	_ =	shalt  }
0x68: {  	_ =	shalt  }
0x69: {  	_ =	shalt  }
0x6a: {  	_ =	shalt  }
0x6b: {  	_ =	shalt  }
0x6c: {  	_ =	shalt  }
0x6d: {  	_ =	shalt  }
0x6e: {  	_ =	shalt  }
0x6f: {  	_ =	shalt  }
0x70: {  	_ =	shalt  }
0x71: {  	_ =	shalt  }
0x72: {  	_ =	shalt  }
0x73: {  	_ =	shalt  }
0x74: {  	_ =	shalt  }
0x75: {  	_ =	shalt  }
0x76: {  	_ =	shalt  }
0x77: {  	_ =	shalt  }
0x78: {  	_ =	shalt  }
0x79: {  	_ =	shalt  }
0x7a: {  	_ =	shalt  }
0x7b: {  	_ =	shalt  }
0x7c: {  	_ =	shalt  }
0x7d: {  	_ =	shalt  }
0x7e: {  	_ =	shalt  }
0x7f: {  	_ =	shalt  }
0x80: {  	_ =	shalt  }
0x81: {  	_ =	shalt  }
0x82: {  	_ =	shalt  }
0x83: {  	_ =	shalt  }
0x84: {  	_ =	shalt  }
0x85: {  	_ =	shalt  }
0x86: {  	_ =	shalt  }
0x87: {  	_ =	shalt  }
.Lfunc_end0:
.L_simem_size_0:
called_computation_lowered:
.L_overlay_start_0:
0x88: {  	s0 =	sld [smem:$0x3FD9]  }
0x89: {  	s1 =	sld [smem:$0x3FFE];
	_ =	sdelay $0x3  }
0x8a: {  	s0 =	sadd.s32 s1, s0  }
0x8b: {  	[smem:$0x3FC3] =	sst s0  }
0x8c: {  	_ = 	snop  }
0x8d: {  	s0 =	sld [smem:$0x3FC8]  }
0x8e: {  	s16 =	sld [smem:$0x3FC7]  }
0x8f: {  	s2 =	sld [smem:$0x3FD0];
	(tm) =	ssettm $0x1  }
0x90: {  	s3 =	sld [smem:$0x3FFB];
	_ =	sdelay $0x3  }
0x91: {  	_ =	strace s3  }
0x92: {  	s3 =	sld [smem:$0x3FFC];
	_ =	sdelay $0x3  }
0x93: {  	_ =	strace s3  }
0x94: {  	s3 =	sld [smem:$0x3FFD];
	_ =	sdelay $0x3  }
0x95: {  	_ =	strace s3  }
0x96: {  	_ =	strace $0x8FFFFFFF  }
0x97: {  	s17 =	sld [smem:$0x3FDB];
	_ =	sdelay $0x1  }
0x98: {  	s4 =	simm.s32 $_scs_section_size  }
0x99: {  	s5 =	simm.s32 $_size__tile_overlayer_lowered;
	s6 =	simm.s32 $_tile_overlayer_lowered  }
0x9a: {  	s20 =	simm.s32 $0x1BFF;
	s19 =	sshll.u32 s6, $0x1;
	s3 =	sadd.s32 s4, s17  }
0x9b: {  	s7 =	simm.s32 $0x0;
	s18 =	sshll.u32 s5, $0x1;
	s5 =	sadd.s32 s19, s3  }
0x9c: {  	[timem:s7], [sflag:s20] =	dma.local [hbm:s5], s18  }
0x9d: {  	_ =	swait.ge [sflag:s20], s18  }
0x9e: {  	s4 =	ssub.s32 $0x0, s18;
	[sflag:s20] =	ssyncset.done $0x0  }
0x9f: {  	[sflag:s20] =	ssyncadd.s32 s4;
	_ =	sdelay $0x1  }
0xa0: {  	s21 =	simm.s32 $0x1B8B  }
0xa1: {  	_ =	swait.ge [sflag:s21], $0x1  }
0xa2: {  	[sflag:s21] =	ssyncset.done $0x0  }
0xa3: {  	s23 =	simm.s32 $0x1B8E;
	s22 =	sld [smem:$0x3FFE];
	[sflag:s21] =	ssyncadd.s32 $0xFFFFFFFF  }
0xa4: {  	s24 =	simm.s32 $execute0_lowered;
	[smem:$0x3FD2] =	sst s23  }
0xa5: {  	s5 =	sshll.u32 s24, $0x1;
	_ =	strace $0x80000046;
	[dreg:$0x1] =	wrdreg $0xFFFFFFFF  }
0xa6: {  	s25 =	simm.s32 $_size_execute0_lowered;
	s3 =	sadd.s32 s3, s5;
	[dreg:$0x0] =	wrdreg $0x0  }
0xa7: {  	s5 =	sshll.u32 s25, $0x1;
	[dreg:$0x2] =	wrdreg s3  }
0xa8: {  	[dreg:$0x3] =	wrdreg s5  }
0xa9: {  	[dreg:$0x4] =	wrdreg $0xC0  }
0xaa: {  	_ =	task [dreg:s7], $0x5FFFF  }
0xab: {  	[dreg:$0x1] =	wrdreg $0xFFFFFFFF  }
0xac: {  	[dreg:$0x0] =	wrdreg $0x60  }
0xad: {  	[dreg:$0x2] =	wrdreg s0  }
0xae: {  	[dreg:$0x3] =	wrdreg s16  }
0xaf: {  	[dreg:$0x4] =	wrdreg s22  }
0xb0: {  	[dreg:$0x5] =	wrdreg s2  }
0xb1: {  	[dreg:$0x6] =	wrdreg $0x46300  }
0xb2: {  	[dreg:$0x7] =	wrdreg $0x46400  }
0xb3: {  	[dreg:$0x8] =	wrdreg $0x9  }
0xb4: {  	_ =	task.clear_ibuf [dreg:s7], $0x9FFFF;
	_ =	strace $0x90000046  }
0xb5: {  	s26 =	simm.s32 $0x9;
	_ =	strace $0x80000048  }
0xb6: {  	_ =	swait.ge [sflag:s26], $0x1  }
0xb7: {  	[sflag:s26] =	ssyncadd.s32 $0xFFFFFFFF  }
0xb8: {  	_ =	strace $0x90000048  }
0xb9: {  	_ =	sfence  }
0xba: {  	s28 =	sld [smem:$0x0];
	_ =	sdelay $0x1  }
0xbb: {  	s29 =	srdreg.scid  }
0xbc: {  	s30 =	sshll.u32 s29, $0xD;
	s31 =	sshrl.u32 s29, $0x2  }
0xbd: {  	s1 =	sand.u32 $0x1, s29;
	s2 =	sand.u32 $0x4000, s30;
	s0 =	sadd.s32 s31, s28  }
0xbe: {  	s1 =	sor.u32 s2, s1;
	s0 =	sshll.u32 s0, $0x11  }
0xbf: {  	s0 =	sor.u32 s0, s1  }
0xc0: {  	s0 =	sadd.s32 $0x8F2B, s0  }
0xc1: {  	[sflag:s0] =	ssyncadd.remote.s32 $0x1  }
0xc2: {  	_ =	sfence.sel $0xFFFF  }
0xc3: {  	[dreg:$0x0] =	wrdreg $0xFFFFFFFF;
	(pc) =	sbr.abs _section_cstart, $3  }
0xc4: {  	[dreg:$0x1] =	wrdreg $0xFFFFFFFF  }
0xc5: {  	_ =	task.clear_ibuf [dreg:s7], $0x2FFFF;
	_ =	strace $0x9FFFFFFF  }
0xc6: {  	(tm) =	ssettm $0x7FFFFFFF  }
0xc7: {  	_ =	shalt  }
tec
execute0_lowered:
.L_overlay_start_1:
0x0: {  	(tag) =	ssettag $0x1  }
0x1: {  	s8 =	rddreg [dreg:$0x0]  }
0x2: {  	s4 =	rddreg [dreg:$0x1]  }
0x3: {  	s1 =	rddreg [dreg:$0x2]  }
0x4: {  	s2 =	rddreg [dreg:$0x3]  }
0x5: {  	s6 =	rddreg [dreg:$0x4]  }
0x6: {  	s5 =	rddreg [dreg:$0x5]  }
0x7: {  	s0 =	rddreg [dreg:$0x6];
	s7 =	simm.s32 $0x0  }
0x8: {  	s9 =	simm.s32 $0x4000;
	[smem:$0x7FF] =	sst s7  }
0x9: {  	s28 =	simm.s32 $0x3;
	s3 =	sadd.s32 $0x200, s1;
	_ =	strace $0x80000047  }
0xa: {  	[tilespmem:s9], [sflag:$0x3] =	stream.linear.gather [hbm4b:s3+s7], $0x20, $0x38;
	[tilespmem:$0x4870] =	vst v63  }
0xb: {  	s11 =	simm.s32 $0x4020;
	s10 =	sadd.s32 $0x400, s1;
	_ =	swait.ge [sflag:s28], $0x20  }
0xc: {  	s1 =	stileid.u32;
	s29 =	sand.u32 $0x6000, s7;
	[sflag:s28] =	ssyncset.done $0x0  }
0xd: {  	s30 =	sand.u32 $0x180, s7;
	s3 =	sshll.u32 s1, $0x9;
	[sflag:s28] =	ssyncadd.s32 $0xFFFFFFE0  }
0xe: {  	[tilespmem:s11], [sflag:$0x3] =	stream.linear.gather [hbm4b:s10+s7], $0x10, $0x38;
	[tilespmem:$0x4870] =	vst v63  }
0xf: {  	s9 =	simm.s32 $0x800;
	s8 =	sadd.s32 s8, s3;
	_ =	swait.ge [sflag:s28], $0x10  }
0x10: {  	s10 =	sor.u32 s29, s30;
	s11 =	simm.s32 $0x0;
	[sflag:s28] =	ssyncset.done $0x0  }
0x11: {  	s31 =	sadd.s32 s10, s8;
	s10 =	simm.s32 $0x0;
	[sflag:s28] =	ssyncadd.s32 $0xFFFFFFF0  }
0x12: {  	[tilespmem:s7], [sflag:$0x1] =	stream.linear.gather [hbm4b:s31+s7], $0x400, $0x38;
	[tilespmem:$0x4870] =	vst v63  }
.LBB2_1:
0x13: {  	p0 =	sne.s32 s9, $0x7800  }
.Ltmp0:
0x14: {  	s12 =	sand.u32 $0x6000, s9;
	s10 =	sadd.s32 $0x80, s10;
	(pc) =	sbr.rel @p0 .LBB2_1-.Ltmp0, $4  }
0x15: {  	s9 =	sadd.s32 $0x800, s9;
	s13 =	sand.u32 $0x180, s10  }
0x16: {  	s12 =	sor.u32 s12, s13  }
0x17: {  	s11 =	sadd.s32 $0x400, s11;
	s12 =	sadd.s32 s12, s8  }
0x18: {  	[tilespmem:s11], [sflag:$0x1] =	stream.linear.gather [hbm4b:s12+s7], $0x400, $0x38;
	[tilespmem:$0x4870] =	vst v63  }
0x19: {  	s7 =	simm.s32 $0x1  }
0x1a: {  	_ =	swait.ge [sflag:s7], $0x4000  }
0x1b: {  	s8 =	simm.s32 $0x0;
	[sflag:s7] =	ssyncset.done $0x0  }
0x1c: {  	s23 =	sand.u32 $0xC00, s8;
	s8 =	sand.u32 $0x70, s8;
	[sflag:s7] =	ssyncadd.s32 $0xFFFFC000  }
0x1d: {  	s7 =	sor.u32 s8, s23;
	v15 =	vld [tilespmem:$0x4000]  }
0x1e: {  	v3 =	vld [tilespmem:s7+$0x0]  }
0x1f: {  	v4 =	vld [tilespmem:s7+$0x80];
	_ =	sdelay $0x1  }
0x20: {  	v5 =	vld [tilespmem:s7+$0x100]  }
0x21: {  	v0 =	vbroadcast v15, $0x0;
	v1 =	vbroadcast v15, $0x1  }
0x22: {  	v6 =	vld [tilespmem:s7+$0x180]  }
0x23: {  	v2 =	vbroadcast v15, $0x2;
	v7 =	vsub.f32 v3, v0;
	v4 =	vsub.f32 v4, v1  }
0x24: {  	v8 =	vld [tilespmem:s7+$0x200];
	v3 =	vbroadcast v15, $0x3  }
0x25: {  	v10 =	vsub.f32 v5, v2;
	v7 =	vmul.f32 v7, v7;
	v9 =	vmul.f32 v4, v4  }
0x26: {  	s24 =	simm.s32 $0x80;
	s9 =	simm.s32 $0x10;
	v11 =	vld [tilespmem:s7+$0x280];
	v4 =	vbroadcast v15, $0x4  }
0x27: {  	s9 =	sand.u32 $0x70, s9;
	s8 =	sand.u32 $0xC00, s24;
	v13 =	vld [tilespmem:s7+$0x300];
	v10 =	vmul.f32 v10, v10;
	v12 =	vsub.f32 v6, v3;
	v9 =	vadd.f32 v9, v7  }
0x28: {  	v16 =	vld [tilespmem:s7+$0x380];
	s8 =	sor.u32 s9, s8;
	v5 =	vbroadcast v15, $0x5  }
0x29: {  	v38 =	vld [tilespmem:s8+$0x0];
	v12 =	vmul.f32 v12, v12;
	v14 =	vsub.f32 v8, v4;
	v10 =	vadd.f32 v10, v9  }
0x2a: {  	v18 =	vld [tilespmem:s7+$0x1000];
	v6 =	vbroadcast v15, $0x6  }
0x2b: {  	v39 =	vld [tilespmem:s8+$0x80];
	v17 =	vsub.f32 v11, v5;
	v14 =	vmul.f32 v14, v14;
	v12 =	vadd.f32 v12, v10  }
0x2c: {  	v31 =	vld [tilespmem:$0x4010];
	v7 =	vbroadcast v15, $0x7  }
0x2d: {  	v41 =	vld [tilespmem:s8+$0x100];
	v17 =	vmul.f32 v17, v17;
	v19 =	vsub.f32 v13, v6;
	v14 =	vadd.f32 v14, v12  }
0x2e: {  	v37 =	vimm.f32 $3.000000010e+38;
	v20 =	vld [tilespmem:s7+$0x1080];
	v38 =	vsub.f32 v38, v0;
	v8 =	vbroadcast v15, $0x8  }
0x2f: {  	v44 =	vld [tilespmem:s8+$0x180];
	v19 =	vmul.f32 v19, v19;
	v16 =	vsub.f32 v16, v7;
	v17 =	vadd.f32 v17, v14  }
0x30: {  	v21 =	vld [tilespmem:s7+$0x1100];
	v39 =	vsub.f32 v39, v1;
	v11 =	vbroadcast v15, $0xB;
	v9 =	vbroadcast v15, $0x9  }
0x31: {  	v23 =	vld [tilespmem:s7+$0x1180];
	v18 =	vsub.f32 v18, v8;
	v22 =	vmul.f32 v16, v16;
	v19 =	vadd.f32 v19, v17  }
0x32: {  	v25 =	vld [tilespmem:s7+$0x1200];
	v41 =	vsub.f32 v41, v2;
	v38 =	vmul.f32 v38, v38;
	v10 =	vbroadcast v15, $0xA  }
0x33: {  	v46 =	vld [tilespmem:s8+$0x200];
	v24 =	vmul.f32 v18, v18;
	v20 =	vsub.f32 v20, v9;
	v22 =	vadd.f32 v22, v19  }
0x34: {  	v27 =	vld [tilespmem:s7+$0x1280];
	v39 =	vmul.f32 v39, v39;
	v60 =	vmul.f32 v41, v41;
	v61 =	vsub.f32 v44, v3  }
0x35: {  	v63 =	vld [tilespmem:s8+$0x300];
	v26 =	vsub.f32 v21, v10;
	v22 =	vadd.f32 v24, v22;
	v24 =	vmul.f32 v20, v20  }
0x36: {  	v13 =	vbroadcast v15, $0xD;
	v28 =	vsub.f32 v23, v11;
	v23 =	vbroadcast v31, $0x7  }
0x37: {  	v29 =	vld [tilespmem:s7+$0x1300];
	v12 =	vbroadcast v15, $0xC;
	v26 =	vmul.f32 v26, v26;
	v24 =	vadd.f32 v24, v22  }
0x38: {  	v32 =	vld [tilespmem:s7+$0x1380];
	v38 =	vadd.f32 v39, v38;
	v50 =	vmul.f32 v61, v61;
	v51 =	vsub.f32 v46, v4  }
0x39: {  	v53 =	vld [tilespmem:s8+$0x380];
	v28 =	vmul.f32 v28, v28;
	v30 =	vsub.f32 v25, v12;
	v26 =	vadd.f32 v26, v24  }
0x3a: {  	v34 =	vld [tilespmem:s7+$0x2000];
	v63 =	vsub.f32 v63, v6;
	v33 =	vsub.f32 v27, v13;
	v27 =	vbroadcast v31, $0xB  }
0x3b: {  	v40 =	vld [tilespmem:s7+$0x2100];
	v14 =	vbroadcast v15, $0xE;
	v30 =	vmul.f32 v30, v30;
	v28 =	vadd.f32 v28, v26  }
0x3c: {  	v38 =	vadd.f32 v60, v38;
	v16 =	vbroadcast v31, $0x0;
	v33 =	vmul.f32 v33, v33  }
0x3d: {  	v57 =	vld [tilespmem:s7+$0x2280];
	v15 =	vbroadcast v15, $0xF;
	v35 =	vsub.f32 v29, v14;
	v30 =	vadd.f32 v30, v28  }
0x3e: {  	v36 =	vld [tilespmem:s7+$0x2080];
	v53 =	vsub.f32 v53, v7;
	v18 =	vbroadcast v31, $0x2;
	v21 =	vbroadcast v31, $0x5  }
0x3f: {  	v32 =	vsub.f32 v32, v15;
	v35 =	vmul.f32 v35, v35;
	v33 =	vadd.f32 v33, v30  }
0x40: {  	v43 =	vld [tilespmem:s7+$0x2180];
	v34 =	vsub.f32 v34, v16;
	v40 =	vsub.f32 v40, v18;
	v25 =	vbroadcast v31, $0x9  }
0x41: {  	v47 =	vld [tilespmem:s8+$0x280];
	v17 =	vbroadcast v31, $0x1;
	v42 =	vmul.f32 v32, v32;
	v35 =	vadd.f32 v35, v33  }
0x42: {  	v45 =	vld [tilespmem:s7+$0x2200];
	v56 =	vmul.f32 v34, v34;
	v58 =	vmul.f32 v40, v40;
	v55 =	vsub.f32 v57, v21  }
0x43: {  	v19 =	vbroadcast v31, $0x3;
	v36 =	vsub.f32 v36, v17;
	v35 =	vadd.f32 v42, v35  }
0x44: {  	v38 =	vadd.f32 v50, v38;
	v60 =	vmul.f32 v55, v55;
	v55 =	vld [tilespmem:s8+$0x1100];
	v20 =	vbroadcast v31, $0x4  }
0x45: {  	v62 =	vld [tilespmem:s7+$0x2300];
	v36 =	vmul.f32 v36, v36;
	v59 =	vsub.f32 v43, v19;
	v35 =	vadd.f32 v56, v35  }
0x46: {  	v52 =	vld [tilespmem:s7+$0x2380];
	v57 =	vsub.f32 v47, v5;
	v29 =	vbroadcast v31, $0xD;
	v32 =	vlaneseq.u32  }
0x47: {  	s25 =	sadd.s32 $0x0, s3;
	v48 =	vmul.f32 v59, v59;
	v49 =	vsub.f32 v45, v20;
	v59 =	vld [tilespmem:s8+$0x1000];
	v35 =	vadd.f32 v36, v35  }
0x48: {  	v34 =	vor.u32 s25, v32;
	v22 =	vbroadcast v31, $0x6;
	v45 =	vld [tilespmem:s8+$0x2100];
	v56 =	vmul.f32 v51, v51  }
0x49: {  	v55 =	vsub.f32 v55, v10;
	v54 =	vmul.f32 v49, v49;
	v49 =	vld [tilespmem:s8+$0x1080];
	v35 =	vadd.f32 v58, v35  }
0x4a: {  	v61 =	vsub.f32 v62, v22;
	v62 =	vmul.f32 v57, v57;
	v38 =	vadd.f32 v56, v38;
	v58 =	vld [tilespmem:s7+$0x3000]  }
0x4b: {  	v24 =	vbroadcast v31, $0x8;
	v26 =	vbroadcast v31, $0xA;
	v35 =	vadd.f32 v48, v35;
	v48 =	vld [tilespmem:s7+$0x3080]  }
0x4c: {  	v51 =	vsub.f32 v52, v23;
	v52 =	vmul.f32 v63, v63;
	v38 =	vadd.f32 v62, v38  }
0x4d: {  	v50 =	vmul.f32 v61, v61;
	v59 =	vsub.f32 v59, v8;
	v35 =	vadd.f32 v54, v35;
	v54 =	vld [tilespmem:s7+$0x3100]  }
0x4e: {  	v45 =	vsub.f32 v45, v18;
	v28 =	vbroadcast v31, $0xC;
	v38 =	vadd.f32 v52, v38  }
0x4f: {  	v61 =	vld [tilespmem:s8+$0x1180];
	v57 =	vsub.f32 v58, v24;
	v58 =	vmul.f32 v53, v53;
	v35 =	vadd.f32 v60, v35  }
0x50: {  	v49 =	vsub.f32 v49, v9;
	v56 =	vmul.f32 v51, v51;
	v60 =	vld [tilespmem:s7+$0x3180];
	v63 =	vsub.f32 v48, v25  }
0x51: {  	v51 =	vld [tilespmem:s8+$0x1200];
	v38 =	vadd.f32 v58, v38;
	v48 =	vmul.f32 v59, v59;
	v35 =	vadd.f32 v50, v35  }
0x52: {  	v30 =	vbroadcast v31, $0xE;
	v31 =	vbroadcast v31, $0xF;
	v50 =	vld [tilespmem:s7+$0x3200];
	v53 =	vsub.f32 v54, v26  }
0x53: {  	v38 =	vadd.f32 v48, v38;
	v54 =	vmul.f32 v49, v49;
	v35 =	vadd.f32 v56, v35;
	v56 =	vld [tilespmem:s7+$0x3280]  }
0x54: {  	v61 =	vsub.f32 v61, v11;
	v62 =	vmul.f32 v57, v57;
	v57 =	vld [tilespmem:s8+$0x1280];
	v52 =	vmul.f32 v63, v63  }
0x55: {  	v63 =	vld [tilespmem:s8+$0x1300];
	v59 =	vsub.f32 v60, v27;
	v38 =	vadd.f32 v54, v38;
	v60 =	vmul.f32 v55, v55  }
0x56: {  	v33 =	vimm.s32 $0x0;
	v51 =	vsub.f32 v51, v12;
	v35 =	vadd.f32 v62, v35;
	v62 =	vld [tilespmem:s7+$0x3300]  }
0x57: {  	s26 =	simm.s32 $0x100;
	s28 =	simm.s32 $0x20;
	v44 =	vld [tilespmem:s8+$0x1380];
	v49 =	vsub.f32 v50, v28;
	v38 =	vadd.f32 v60, v38;
	v50 =	vmul.f32 v61, v61  }
0x58: {  	s9 =	sand.u32 $0x70, s28;
	v58 =	vmul.f32 v53, v53;
	v35 =	vadd.f32 v52, v35;
	v52 =	vld [tilespmem:s7+$0x3380];
	s7 =	sand.u32 $0xC00, s26;
	v54 =	vsub.f32 v56, v29  }
0x59: {  	v55 =	vmul.f32 v51, v51;
	v38 =	vadd.f32 v50, v38;
	v56 =	vsub.f32 v57, v13;
	v57 =	vld [tilespmem:s8+$0x2000];
	s7 =	sor.u32 s9, s7  }
0x5a: {  	v48 =	vmul.f32 v59, v59;
	v61 =	vsub.f32 v63, v14;
	v35 =	vadd.f32 v58, v35;
	v63 =	vld [tilespmem:s7+$0x0]  }
0x5b: {  	v59 =	vsub.f32 v62, v30;
	v38 =	vadd.f32 v55, v38;
	v60 =	vmul.f32 v56, v56;
	v62 =	vld [tilespmem:s8+$0x2080]  }
0x5c: {  	v53 =	vmul.f32 v49, v49;
	v58 =	vmul.f32 v54, v54;
	v54 =	vld [tilespmem:s7+$0x100];
	v35 =	vadd.f32 v48, v35  }
0x5d: {  	v43 =	vsub.f32 v52, v31;
	v38 =	vadd.f32 v60, v38;
	v52 =	vmul.f32 v61, v61  }
0x5e: {  	v48 =	vld [tilespmem:s7+$0x80];
	v40 =	vmul.f32 v59, v59;
	v35 =	vadd.f32 v53, v35;
	v53 =	vsub.f32 v44, v15  }
0x5f: {  	v56 =	vsub.f32 v57, v16;
	v43 =	vmul.f32 v43, v43;
	v38 =	vadd.f32 v52, v38  }
0x60: {  	s29 =	sadd.s32 $0x10, s3;
	v61 =	vsub.f32 v63, v0;
	v36 =	vadd.f32 v58, v35;
	v55 =	vmul.f32 v53, v53  }
0x61: {  	v57 =	vld [tilespmem:s8+$0x2180];
	v35 =	vor.u32 s29, v32;
	v60 =	vsub.f32 v62, v17;
	v53 =	vsub.f32 v54, v2  }
0x62: {  	v58 =	vld [tilespmem:s7+$0x180];
	v59 =	vmul.f32 v56, v56;
	v40 =	vadd.f32 v40, v36;
	v38 =	vadd.f32 v55, v38  }
0x63: {  	v63 =	vld [tilespmem:s8+$0x2200];
	v54 =	vmul.f32 v45, v45;
	v62 =	vsub.f32 v48, v1;
	v51 =	vmul.f32 v61, v61  }
0x64: {  	s30 =	sadd.s32 $0x20, s3;
	v49 =	vld [tilespmem:s7+$0x200];
	v50 =	vmul.f32 v60, v60;
	v40 =	vadd.f32 v43, v40;
	v38 =	vadd.f32 v59, v38  }
0x65: {  	v44 =	vld [tilespmem:s8+$0x2280];
	v36 =	vor.u32 s30, v32;
	v56 =	vmul.f32 v53, v53;
	v52 =	vmul.f32 v62, v62  }
0x66: {  	v47 =	vld [tilespmem:s7+$0x280];
	v55 =	vsub.f32 v57, v19;
	vm0 =	vlt.f32 v40, v37;
	v38 =	vadd.f32 v50, v38  }
0x67: {  	v57 =	vsub.f32 v58, v3;
	v58 =	vld [tilespmem:s8+$0x2300];
	v37 =	vsel vm0, v40, v37;
	v40 =	vadd.f32 v52, v51  }
0x68: {  	v46 =	vld [tilespmem:s7+$0x300];
	v60 =	vsub.f32 v63, v20;
	v59 =	vmul.f32 v55, v55;
	v38 =	vadd.f32 v54, v38  }
0x69: {  	v62 =	vsub.f32 v49, v4;
	v63 =	vld [tilespmem:s8+$0x2380];
	v61 =	vmul.f32 v57, v57;
	v40 =	vadd.f32 v56, v40  }
0x6a: {  	v44 =	vsub.f32 v44, v21;
	v53 =	vmul.f32 v60, v60;
	v52 =	vld [tilespmem:s7+$0x380];
	v38 =	vadd.f32 v59, v38  }
0x6b: {  	v55 =	vsub.f32 v47, v5;
	v54 =	vmul.f32 v62, v62;
	v56 =	vld [tilespmem:s8+$0x3000];
	v40 =	vadd.f32 v61, v40  }
0x6c: {  	v47 =	vld [tilespmem:s7+$0x1000];
	v57 =	vmul.f32 v44, v44;
	v43 =	vsub.f32 v58, v22;
	v38 =	vadd.f32 v53, v38  }
0x6d: {  	v60 =	vld [tilespmem:s8+$0x3080];
	v58 =	vmul.f32 v55, v55;
	v59 =	vsub.f32 v46, v6;
	v40 =	vadd.f32 v54, v40  }
0x6e: {  	v62 =	vsub.f32 v63, v23;
	v46 =	vld [tilespmem:s7+$0x1080];
	v61 =	vmul.f32 v43, v43;
	v38 =	vadd.f32 v57, v38  }
0x6f: {  	v63 =	vmul.f32 v59, v59;
	v52 =	vsub.f32 v52, v7;
	v53 =	vld [tilespmem:s8+$0x3100];
	v40 =	vadd.f32 v58, v40  }
0x70: {  	v49 =	vld [tilespmem:s7+$0x1100];
	v54 =	vmul.f32 v62, v62;
	v55 =	vsub.f32 v56, v24;
	v38 =	vadd.f32 v61, v38  }
0x71: {  	v45 =	vld [tilespmem:s8+$0x3180];
	v56 =	vmul.f32 v52, v52;
	v57 =	vsub.f32 v47, v8;
	v40 =	vadd.f32 v63, v40  }
0x72: {  	v59 =	vsub.f32 v60, v25;
	v47 =	vld [tilespmem:s7+$0x1180];
	v58 =	vmul.f32 v55, v55;
	v38 =	vadd.f32 v54, v38  }
0x73: {  	v44 =	vld [tilespmem:s8+$0x3200];
	v60 =	vmul.f32 v57, v57;
	v61 =	vsub.f32 v46, v9;
	v40 =	vadd.f32 v56, v40  }
0x74: {  	v62 =	vld [tilespmem:s7+$0x1200];
	v63 =	vmul.f32 v59, v59;
	v52 =	vsub.f32 v53, v26;
	v38 =	vadd.f32 v58, v38  }
0x75: {  	v55 =	vld [tilespmem:s8+$0x3280];
	v53 =	vmul.f32 v61, v61;
	v54 =	vsub.f32 v49, v10;
	v40 =	vadd.f32 v60, v40  }
0x76: {  	v56 =	vld [tilespmem:s7+$0x1280];
	v57 =	vmul.f32 v52, v52;
	v58 =	vsub.f32 v45, v27;
	v38 =	vadd.f32 v63, v38  }
0x77: {  	v61 =	vld [tilespmem:s8+$0x3300];
	v59 =	vmul.f32 v54, v54;
	v60 =	vsub.f32 v47, v11;
	v40 =	vadd.f32 v53, v40  }
0x78: {  	v50 =	vld [tilespmem:s7+$0x1300];
	v44 =	vsub.f32 v44, v28;
	v43 =	vmul.f32 v58, v58;
	v39 =	vadd.f32 v57, v38  }
0x79: {  	v46 =	vsub.f32 v62, v12;
	v42 =	vmul.f32 v60, v60;
	v38 =	vld [tilespmem:s8+$0x3380];
	v41 =	vadd.f32 v59, v40  }
0x7a: {  	v44 =	vmul.f32 v44, v44;
	v62 =	vsub.f32 v55, v29;
	v40 =	vld [tilespmem:s7+$0x1380];
	v43 =	vadd.f32 v43, v39  }
0x7b: {  	s31 =	simm.s32 $0x180;
	s10 =	simm.s32 $0x30;
	v46 =	vmul.f32 v46, v46;
	v63 =	vsub.f32 v56, v13;
	v39 =	vld [tilespmem:s7+$0x2100];
	v42 =	vadd.f32 v42, v41  }
0x7c: {  	s11 =	sand.u32 $0x70, s10;
	v45 =	vsub.f32 v61, v30;
	s8 =	sand.u32 $0xC00, s31;
	v41 =	vld [tilespmem:s7+$0x2000];
	v43 =	vadd.f32 v44, v43;
	v44 =	vmul.f32 v62, v62  }
0x7d: {  	s9 =	sadd.s32 $0x30, s3;
	s8 =	sor.u32 s11, s8;
	s11 =	simm.s32 $0x200;
	v48 =	vmul.f32 v63, v63;
	v47 =	vadd.f32 v46, v42;
	v46 =	vsub.f32 v50, v14;
	v42 =	vld [tilespmem:s7+$0x2080]  }
.LBB2_3:
0x7e: {  	p0 =	sne.s32 s11, $0xF80;
	v49 =	vld [tilespmem:s8+$0x0];
	v43 =	vadd.f32 v44, v43;
	v44 =	vmul.f32 v45, v45;
	v38 =	vsub.f32 v38, v31  }
0x7f: {  	v45 =	vld [tilespmem:s8+$0x80];
	v47 =	vadd.f32 v48, v47;
	v46 =	vmul.f32 v46, v46;
	v40 =	vsub.f32 v40, v15  }
0x80: {  	v48 =	vor.u32 s9, v32;
	v43 =	vadd.f32 v44, v43;
	v38 =	vmul.f32 v38, v38  }
0x81: {  	v44 =	vld [tilespmem:s8+$0x100];
	v46 =	vadd.f32 v46, v47;
	v40 =	vmul.f32 v40, v40;
	v41 =	vsub.f32 v41, v16  }
0x82: {  	v33 =	vsel vm0, v34, v33;
	v34 =	vmovc v35;
	v39 =	vsub.f32 v39, v18;
	v47 =	vld [tilespmem:s7+$0x2180];
	v38 =	vadd.f32 v38, v43  }
0x83: {  	v35 =	vmovc v36;
	v42 =	vsub.f32 v42, v17;
	v43 =	vld [tilespmem:s8+$0x180];
	v40 =	vadd.f32 v40, v46;
	v41 =	vmul.f32 v41, v41  }
0x84: {  	v36 =	vmovc v48;
	v46 =	vsub.f32 v49, v0;
	v45 =	vsub.f32 v45, v1;
	v49 =	vld [tilespmem:s7+$0x2200];
	vm0 =	vlt.f32 v38, v37  }
0x85: {  	v48 =	vld [tilespmem:s8+$0x200];
	v40 =	vadd.f32 v41, v40;
	v41 =	vmul.f32 v42, v42;
	v37 =	vsel vm0, v38, v37  }
0x86: {  	v38 =	vmul.f32 v46, v46;
	v42 =	vmul.f32 v45, v45;
	v44 =	vsub.f32 v44, v2;
	v45 =	vld [tilespmem:s7+$0x2280]  }
0x87: {  	v39 =	vmul.f32 v39, v39;
	v46 =	vld [tilespmem:s8+$0x280];
	v40 =	vadd.f32 v41, v40;
	v41 =	vsub.f32 v47, v19  }
0x88: {  	v38 =	vadd.f32 v42, v38;
	v42 =	vmul.f32 v44, v44;
	v43 =	vsub.f32 v43, v3;
	v44 =	vld [tilespmem:s7+$0x2300]  }
0x89: {  	v47 =	vld [tilespmem:s8+$0x300];
	v39 =	vadd.f32 v39, v40;
	v40 =	vmul.f32 v41, v41;
	v41 =	vsub.f32 v49, v20  }
0x8a: {  	v38 =	vadd.f32 v42, v38;
	v42 =	vmul.f32 v43, v43;
	v43 =	vsub.f32 v48, v4;
	v48 =	vld [tilespmem:s7+$0x2380]  }
0x8b: {  	v49 =	vld [tilespmem:s8+$0x380];
	v39 =	vadd.f32 v40, v39;
	v40 =	vmul.f32 v41, v41;
	v41 =	vsub.f32 v45, v21  }
0x8c: {  	v38 =	vadd.f32 v42, v38;
	v42 =	vmul.f32 v43, v43;
	v43 =	vsub.f32 v46, v5;
	v45 =	vld [tilespmem:s7+$0x3000]  }
0x8d: {  	v46 =	vld [tilespmem:s8+$0x1000];
	v39 =	vadd.f32 v40, v39;
	v40 =	vmul.f32 v41, v41;
	v41 =	vsub.f32 v44, v22  }
0x8e: {  	v38 =	vadd.f32 v42, v38;
	v42 =	vmul.f32 v43, v43;
	v43 =	vsub.f32 v47, v6;
	v44 =	vld [tilespmem:s7+$0x3080]  }
0x8f: {  	v47 =	vld [tilespmem:s8+$0x1080];
	v39 =	vadd.f32 v40, v39;
	v40 =	vmul.f32 v41, v41;
	v41 =	vsub.f32 v48, v23  }
0x90: {  	v38 =	vadd.f32 v42, v38;
	v42 =	vmul.f32 v43, v43;
	v43 =	vsub.f32 v49, v7;
	v48 =	vld [tilespmem:s7+$0x3100]  }
0x91: {  	v49 =	vld [tilespmem:s8+$0x1100];
	v39 =	vadd.f32 v40, v39;
	v40 =	vmul.f32 v41, v41;
	v41 =	vsub.f32 v45, v24  }
0x92: {  	v38 =	vadd.f32 v42, v38;
	v42 =	vmul.f32 v43, v43;
	v43 =	vsub.f32 v46, v8;
	v45 =	vld [tilespmem:s7+$0x3180]  }
0x93: {  	v46 =	vld [tilespmem:s8+$0x1180];
	v39 =	vadd.f32 v40, v39;
	v40 =	vmul.f32 v41, v41;
	v41 =	vsub.f32 v44, v25  }
0x94: {  	v38 =	vadd.f32 v42, v38;
	v42 =	vmul.f32 v43, v43;
	v43 =	vsub.f32 v47, v9;
	v44 =	vld [tilespmem:s7+$0x3200]  }
0x95: {  	v47 =	vld [tilespmem:s8+$0x1200];
	v39 =	vadd.f32 v40, v39;
	v40 =	vmul.f32 v41, v41;
	v41 =	vsub.f32 v48, v26  }
0x96: {  	v38 =	vadd.f32 v42, v38;
	v42 =	vmul.f32 v43, v43;
	v43 =	vsub.f32 v49, v10;
	v48 =	vld [tilespmem:s7+$0x3280]  }
0x97: {  	v49 =	vld [tilespmem:s8+$0x1280];
	v39 =	vadd.f32 v40, v39;
	v40 =	vmul.f32 v41, v41;
	v41 =	vsub.f32 v45, v27  }
0x98: {  	v38 =	vadd.f32 v42, v38;
	v42 =	vmul.f32 v43, v43;
	v43 =	vsub.f32 v46, v11;
	v45 =	vld [tilespmem:s7+$0x3300]  }
0x99: {  	v46 =	vld [tilespmem:s8+$0x1300];
	v39 =	vadd.f32 v40, v39;
	v41 =	vmul.f32 v41, v41;
	v44 =	vsub.f32 v44, v28  }
.Ltmp1:
0x9a: {  	v42 =	vadd.f32 v42, v38;
	v43 =	vmul.f32 v43, v43;
	v47 =	vsub.f32 v47, v12;
	v38 =	vld [tilespmem:s7+$0x3380];
	s7 =	smov.u32 s8;
	(pc) =	sbr.rel @p0 .LBB2_3-.Ltmp1, $4  }
0x9b: {  	v40 =	vld [tilespmem:s7+$0x1380];
	v50 =	vadd.f32 v41, v39;
	v44 =	vmul.f32 v44, v44;
	v48 =	vsub.f32 v48, v29  }
0x9c: {  	s10 =	sadd.s32 $0x10, s10;
	v42 =	vadd.f32 v43, v42;
	v47 =	vmul.f32 v47, v47;
	v49 =	vsub.f32 v49, v13;
	v39 =	vld [tilespmem:s7+$0x2100]  }
0x9d: {  	s12 =	sand.u32 $0x70, s10;
	s9 =	sadd.s32 s10, s3;
	s8 =	sand.u32 $0xC00, s11;
	v41 =	vld [tilespmem:s7+$0x2000];
	v43 =	vadd.f32 v44, v50;
	v44 =	vmul.f32 v48, v48;
	v45 =	vsub.f32 v45, v30  }
0x9e: {  	s11 =	sadd.s32 $0x80, s11;
	s8 =	sor.u32 s12, s8;
	v47 =	vadd.f32 v47, v42;
	v48 =	vmul.f32 v49, v49;
	v46 =	vsub.f32 v46, v14;
	v42 =	vld [tilespmem:s7+$0x2080]  }
0x9f: {  	v49 =	vld [tilespmem:s8+$0x0]  }
0xa0: {  	v50 =	vld [tilespmem:s8+$0x80];
	_ =	sdelay $0x1  }
0xa1: {  	v51 =	vld [tilespmem:s8+$0x100];
	_ =	sdelay $0x1  }
0xa2: {  	v52 =	vld [tilespmem:s8+$0x180]  }
0xa3: {  	v49 =	vsub.f32 v49, v0;
	v50 =	vsub.f32 v50, v1  }
0xa4: {  	v53 =	vld [tilespmem:s8+$0x200]  }
0xa5: {  	v51 =	vsub.f32 v51, v2;
	v49 =	vmul.f32 v49, v49;
	v50 =	vmul.f32 v50, v50  }
0xa6: {  	v54 =	vld [tilespmem:s8+$0x280]  }
0xa7: {  	v56 =	vsub.f32 v52, v3;
	v63 =	vmul.f32 v51, v51;
	v49 =	vadd.f32 v50, v49  }
0xa8: {  	v57 =	vld [tilespmem:s8+$0x300]  }
0xa9: {  	v59 =	vsub.f32 v53, v4;
	v58 =	vmul.f32 v56, v56;
	v49 =	vadd.f32 v63, v49  }
0xaa: {  	v60 =	vld [tilespmem:s8+$0x380]  }
0xab: {  	v62 =	vsub.f32 v54, v5;
	v61 =	vmul.f32 v59, v59;
	v49 =	vadd.f32 v58, v49  }
0xac: {  	v63 =	vld [tilespmem:s8+$0x1000]  }
0xad: {  	v57 =	vsub.f32 v57, v6;
	v56 =	vmul.f32 v62, v62;
	v49 =	vadd.f32 v61, v49  }
0xae: {  	v58 =	vld [tilespmem:s8+$0x1080]  }
0xaf: {  	v60 =	vsub.f32 v60, v7;
	v59 =	vmul.f32 v57, v57;
	v49 =	vadd.f32 v56, v49  }
0xb0: {  	v53 =	vld [tilespmem:s8+$0x1100]  }
0xb1: {  	v61 =	vmul.f32 v60, v60;
	v62 =	vsub.f32 v63, v8;
	v49 =	vadd.f32 v59, v49  }
0xb2: {  	v63 =	vld [tilespmem:s8+$0x1180]  }
0xb3: {  	v57 =	vmul.f32 v62, v62;
	v58 =	vsub.f32 v58, v9;
	v49 =	vadd.f32 v61, v49  }
0xb4: {  	v59 =	vld [tilespmem:s8+$0x1200]  }
0xb5: {  	v60 =	vmul.f32 v58, v58;
	v61 =	vsub.f32 v53, v10;
	v49 =	vadd.f32 v57, v49  }
0xb6: {  	v53 =	vld [tilespmem:s8+$0x1280]  }
0xb7: {  	v63 =	vsub.f32 v63, v11;
	v62 =	vmul.f32 v61, v61;
	v49 =	vadd.f32 v60, v49  }
0xb8: {  	v43 =	vadd.f32 v44, v43;
	v38 =	vsub.f32 v38, v31;
	v46 =	vmul.f32 v46, v46;
	v54 =	vld [tilespmem:s8+$0x1300]  }
0xb9: {  	v56 =	vmul.f32 v63, v63;
	v57 =	vsub.f32 v59, v12;
	v49 =	vadd.f32 v62, v49  }
0xba: {  	v58 =	vmul.f32 v45, v45;
	v63 =	vsub.f32 v40, v15;
	v59 =	vadd.f32 v48, v47;
	v47 =	vld [tilespmem:s8+$0x1380]  }
0xbb: {  	v61 =	vmul.f32 v57, v57;
	v62 =	vsub.f32 v53, v13;
	v60 =	vadd.f32 v56, v49  }
0xbc: {  	v39 =	vsub.f32 v39, v18;
	v40 =	vadd.f32 v58, v43;
	v58 =	vmul.f32 v63, v63;
	v53 =	vld [tilespmem:s8+$0x2000]  }
0xbd: {  	v63 =	vld [tilespmem:s8+$0x2180];
	v57 =	vsub.f32 v54, v14;
	v56 =	vmul.f32 v62, v62;
	v55 =	vadd.f32 v61, v60  }
0xbe: {  	v41 =	vsub.f32 v41, v16;
	v45 =	vadd.f32 v46, v59;
	v59 =	vld [tilespmem:s8+$0x2080]  }
0xbf: {  	v49 =	vmul.f32 v57, v57;
	v47 =	vsub.f32 v47, v15;
	v60 =	vld [tilespmem:s7+$0x2180];
	v44 =	vadd.f32 v56, v55  }
0xc0: {  	v42 =	vsub.f32 v42, v17;
	v41 =	vmul.f32 v41, v41;
	v45 =	vadd.f32 v58, v45;
	v61 =	vld [tilespmem:s8+$0x2100]  }
0xc1: {  	v62 =	vld [tilespmem:s7+$0x2200];
	v47 =	vmul.f32 v47, v47;
	v43 =	vsub.f32 v53, v16;
	v44 =	vadd.f32 v49, v44  }
0xc2: {  	v52 =	vld [tilespmem:s7+$0x2280];
	v42 =	vmul.f32 v42, v42;
	v41 =	vadd.f32 v41, v45;
	v45 =	vsub.f32 v63, v19  }
0xc3: {  	v54 =	vld [tilespmem:s8+$0x2200];
	v50 =	vsub.f32 v59, v17;
	v43 =	vmul.f32 v43, v43;
	v44 =	vadd.f32 v47, v44  }
0xc4: {  	v39 =	vmul.f32 v39, v39;
	v58 =	vld [tilespmem:s8+$0x2280];
	v41 =	vadd.f32 v42, v41;
	v53 =	vsub.f32 v60, v19  }
0xc5: {  	v55 =	vld [tilespmem:s7+$0x2300];
	v50 =	vmul.f32 v50, v50;
	v46 =	vsub.f32 v61, v18;
	v43 =	vadd.f32 v43, v44  }
0xc6: {  	v38 =	vmul.f32 v38, v38;
	v59 =	vld [tilespmem:s7+$0x2380];
	v39 =	vadd.f32 v39, v41;
	v57 =	vsub.f32 v62, v20  }
0xc7: {  	v62 =	vld [tilespmem:s8+$0x2300];
	v56 =	vmul.f32 v53, v53;
	v46 =	vmul.f32 v46, v46;
	v43 =	vadd.f32 v50, v43  }
0xc8: {  	v63 =	vld [tilespmem:s7+$0x3000];
	v48 =	vsub.f32 v54, v20;
	v45 =	vmul.f32 v45, v45;
	v61 =	vsub.f32 v52, v21  }
0xc9: {  	v54 =	vld [tilespmem:s8+$0x2380];
	v60 =	vmul.f32 v57, v57;
	v39 =	vadd.f32 v56, v39;
	v43 =	vadd.f32 v46, v43  }
0xca: {  	v48 =	vmul.f32 v48, v48;
	v49 =	vsub.f32 v58, v21;
	v58 =	vld [tilespmem:s8+$0x3000];
	v53 =	vsub.f32 v55, v22  }
0xcb: {  	v52 =	vmul.f32 v61, v61;
	v55 =	vld [tilespmem:s7+$0x3080];
	v39 =	vadd.f32 v60, v39;
	v43 =	vadd.f32 v45, v43  }
0xcc: {  	v57 =	vsub.f32 v59, v23;
	v59 =	vld [tilespmem:s7+$0x3100];
	v49 =	vmul.f32 v49, v49;
	v47 =	vsub.f32 v62, v22  }
0xcd: {  	v62 =	vld [tilespmem:s8+$0x3080];
	v56 =	vmul.f32 v53, v53;
	v39 =	vadd.f32 v52, v39;
	v43 =	vadd.f32 v48, v43  }
0xce: {  	v61 =	vsub.f32 v63, v24;
	v63 =	vld [tilespmem:s7+$0x3180];
	v44 =	vsub.f32 v54, v23;
	v47 =	vmul.f32 v47, v47  }
0xcf: {  	v54 =	vld [tilespmem:s8+$0x3100];
	v60 =	vmul.f32 v57, v57;
	v39 =	vadd.f32 v56, v39;
	v43 =	vadd.f32 v49, v43  }
0xd0: {  	v44 =	vmul.f32 v44, v44;
	v57 =	vld [tilespmem:s8+$0x3180];
	v53 =	vsub.f32 v55, v25;
	v55 =	vsub.f32 v58, v24  }
0xd1: {  	v52 =	vmul.f32 v61, v61;
	v56 =	vld [tilespmem:s7+$0x3200];
	v39 =	vadd.f32 v60, v39;
	v43 =	vadd.f32 v47, v43  }
0xd2: {  	v58 =	vld [tilespmem:s7+$0x3280];
	v46 =	vsub.f32 v62, v25;
	v42 =	vmul.f32 v53, v53;
	v48 =	vsub.f32 v59, v26  }
0xd3: {  	v59 =	vld [tilespmem:s8+$0x3200];
	v39 =	vadd.f32 v52, v39;
	v47 =	vmul.f32 v55, v55;
	v43 =	vadd.f32 v44, v43  }
0xd4: {  	v61 =	vld [tilespmem:s8+$0x3280];
	v45 =	vsub.f32 v54, v26;
	v46 =	vmul.f32 v46, v46;
	v49 =	vsub.f32 v63, v27  }
0xd5: {  	v60 =	vld [tilespmem:s7+$0x3300];
	v48 =	vmul.f32 v48, v48;
	v39 =	vadd.f32 v42, v39;
	v43 =	vadd.f32 v47, v43  }
0xd6: {  	v62 =	vld [tilespmem:s7+$0x3380];
	v45 =	vmul.f32 v45, v45;
	v41 =	vsub.f32 v56, v28;
	v44 =	vsub.f32 v57, v27  }
0xd7: {  	v63 =	vld [tilespmem:s8+$0x3300];
	v49 =	vmul.f32 v49, v49;
	v39 =	vadd.f32 v48, v39;
	v43 =	vadd.f32 v46, v43  }
0xd8: {  	v42 =	vsub.f32 v58, v29;
	v41 =	vmul.f32 v41, v41;
	v47 =	vsub.f32 v59, v28  }
0xd9: {  	v54 =	vld [tilespmem:s8+$0x3380];
	v44 =	vmul.f32 v44, v44;
	v39 =	vadd.f32 v49, v39;
	v43 =	vadd.f32 v45, v43  }
0xda: {  	v53 =	vsub.f32 v60, v30;
	v52 =	vmul.f32 v42, v42;
	v46 =	vsub.f32 v61, v29  }
0xdb: {  	v55 =	vmul.f32 v47, v47;
	v39 =	vadd.f32 v41, v39;
	v43 =	vadd.f32 v44, v43  }
0xdc: {  	v57 =	vsub.f32 v62, v31;
	v56 =	vmul.f32 v53, v53;
	v45 =	vsub.f32 v63, v30  }
0xdd: {  	v58 =	vmul.f32 v46, v46;
	v39 =	vadd.f32 v52, v39;
	v43 =	vadd.f32 v55, v43  }
0xde: {  	v38 =	vadd.f32 v38, v40;
	v62 =	vsub.f32 v54, v31;
	v59 =	vmul.f32 v57, v57  }
0xdf: {  	v61 =	vmul.f32 v45, v45;
	v39 =	vadd.f32 v56, v39;
	v60 =	vadd.f32 v58, v43  }
0xe0: {  	vm1 =	vlt.f32 v38, v37  }
0xe1: {  	v44 =	vmul.f32 v62, v62;
	v39 =	vadd.f32 v59, v39;
	v63 =	vadd.f32 v61, v60  }
0xe2: {  	v37 =	vsel vm1, v38, v37  }
0xe3: {  	vm2 =	vlt.f32 v39, v37;
	v45 =	vadd.f32 v44, v63  }
0xe4: {  	v37 =	vsel vm2, v39, v37  }
0xe5: {  	vm3 =	vlt.f32 v45, v37  }
0xe6: {  	v37 =	vsel vm3, v45, v37  }
0xe7: {  	(xrf0) =	vmin.scan.msk.f32 $0xffff, v37;
	_ =	sdelay $0x4  }
0xe8: {  	v33 =	vsel vm0, v34, v33  }
0xe9: {  	v33 =	vsel vm1, v35, v33;
	v46, _, _ =	vpop (xrf0)  }
0xea: {  	v32 =	vor.u32 s9, v32;
	v33 =	vsel vm2, v36, v33;
	v34 =	vbroadcast v46, $0xF  }
0xeb: {  	v32 =	vsel vm3, v32, v33  }
0xec: {  	v32 =	vxor.u32 $0x80000000, v32;
	vm15 =	veq.f32 v37, v34  }
0xed: {  	v32 =	vnsel vm15, $0xFFFFFFFF, v32  }
0xee: {  	(xrf0) =	vmin.scan.msk.u32 $0xffff, v32;
	_ =	sdelay $0x5  }
0xef: {  	v32, _, _ =	vpop (xrf0)  }
0xf0: {  	(v2sf) =	vpush v32, $0xF;
	_ =	sdelay $0xe  }
0xf1: {  	s22 =	spop (v2sf)  }
0xf2: {  	s7 =	sxor.u32 $0x80000000, s22  }
0xf3: {  	s23 =	sshll.u32 s1, $0x4;
	[tilespmem:$0x4850] =	vst v34;
	v47 =	vmov s7  }
0xf4: {  	s25 =	simm.s32 $0x4850;
	s26 =	simm.s32 $0x3;
	s24 =	sadd.s32 s23, s6;
	[tilespmem:$0x4860] =	vst v47  }
0xf5: {  	[spmem:s24] =	stream.linear.scatter [tilespmem:s25], [sflag:$0x3], $0x10, $0x38;
	[tilespmem:$0x4870] =	vst v63  }
0xf6: {  	_ =	swait.ge [sflag:s26], $0x10  }
0xf7: {  	[sflag:s26] =	ssyncset.done $0x0  }
0xf8: {  	s28 =	simm.s32 $0x4860;
	s8 =	sadd.s32 s23, s5;
	[sflag:s26] =	ssyncadd.s32 $0xFFFFFFF0  }
0xf9: {  	[spmem:s8] =	stream.linear.scatter [tilespmem:s28], [sflag:$0x3], $0x10, $0x38;
	[tilespmem:$0x4870] =	vst v63  }
0xfa: {  	_ =	swait.ge [sflag:s26], $0x10  }
0xfb: {  	[sflag:s26] =	ssyncset.done $0x0  }
0xfc: {  	[sflag:s26] =	ssyncadd.s32 $0xFFFFFFF0  }
0xfd: {  	s29 =	simm.s32 $0x4650;
	[bflag:$0x0] =	sbarrier.arrive $0xFFFF  }
0xfe: {  	[tilespmem:s29], [sflag:$0x3] =	stream.linear.gather [spmem:s6], $0x100, $0x38;
	[tilespmem:$0x4870] =	vst v63  }
0xff: {  	_ =	swait.ge [sflag:s26], $0x100  }
0x100: {  	[sflag:s26] =	ssyncset.done $0x0  }
0x101: {  	s30 =	simm.s32 $0x4750;
	[sflag:s26] =	ssyncadd.s32 $0xFFFFFF00  }
0x102: {  	[tilespmem:s30], [sflag:$0x3] =	stream.linear.gather [spmem:s5], $0x100, $0x38;
	[tilespmem:$0x4870] =	vst v63  }
0x103: {  	_ =	swait.ge [sflag:s26], $0x100  }
0x104: {  	[sflag:s26] =	ssyncset.done $0x0  }
0x105: {  	[sflag:s26] =	ssyncadd.s32 $0xFFFFFF00  }
0x106: {  	v48 =	vld [tilespmem:$0x4650]  }
0x107: {  	v49 =	vld [tilespmem:$0x4660]  }
0x108: {  	v50 =	vld [tilespmem:$0x4670]  }
0x109: {  	v51 =	vld [tilespmem:$0x4680]  }
0x10a: {  	v52 =	vld [tilespmem:$0x4690]  }
0x10b: {  	v53 =	vld [tilespmem:$0x46A0]  }
0x10c: {  	v54 =	vld [tilespmem:$0x46B0];
	v32 =	vmin.f32 v48, v49  }
0x10d: {  	v55 =	vld [tilespmem:$0x46C0];
	v32 =	vmin.f32 v32, v50  }
0x10e: {  	v56 =	vld [tilespmem:$0x46D0];
	v32 =	vmin.f32 v32, v51  }
0x10f: {  	v57 =	vld [tilespmem:$0x46E0];
	v32 =	vmin.f32 v32, v52  }
0x110: {  	v58 =	vld [tilespmem:$0x46F0];
	v32 =	vmin.f32 v32, v53  }
0x111: {  	v59 =	vld [tilespmem:$0x4700];
	v32 =	vmin.f32 v32, v54  }
0x112: {  	v60 =	vld [tilespmem:$0x4710];
	v32 =	vmin.f32 v32, v55  }
0x113: {  	v61 =	vld [tilespmem:$0x4720];
	v32 =	vmin.f32 v32, v56  }
0x114: {  	v62 =	vld [tilespmem:$0x4730];
	v32 =	vmin.f32 v32, v57  }
0x115: {  	v63 =	vld [tilespmem:$0x4740];
	v32 =	vmin.f32 v32, v58  }
0x116: {  	v32 =	vmin.f32 v32, v59  }
0x117: {  	v32 =	vmin.f32 v32, v60  }
0x118: {  	s31 =	simm.s32 $0x0;
	v32 =	vmin.f32 v32, v61  }
0x119: {  	v34 =	vld [tilespmem:s31+$0x4650];
	v32 =	vmin.f32 v32, v62  }
0x11a: {  	s5 =	simm.s32 $0x40;
	v35 =	vld [tilespmem:s31+$0x4750];
	v33 =	vmin.f32 v32, v63;
	v32 =	vimm.s32 $0x7FFFFFFF  }
.LBB2_5:
0x11b: {  	_ = 	snop  }
0x11c: {  	p0 =	sne.s32 s5, $0x3C0  }
.Ltmp2:
0x11d: {  	_ = 	snop;
	(pc) =	sbr.rel @p0 .LBB2_5-.Ltmp2, $4  }
0x11e: {  	vm0 =	veq.f32 v34, v33  }
0x11f: {  	s6 =	sshra.s32 s5, $0x2;
	v36 =	vnsel vm0, $0x7FFFFFFF, v35  }
0x120: {  	v34 =	vld [tilespmem:s6+$0x4650];
	vm0 =	vlt.s32 v32, v36  }
0x121: {  	s5 =	sadd.s32 $0x40, s5;
	v35 =	vld [tilespmem:s6+$0x4750];
	v32 =	vsel vm0, v32, v36  }
0x122: {  	_ =	sdelay $0x2  }
0x123: {  	vm0 =	veq.f32 v34, v33  }
0x124: {  	v33 =	vnsel vm0, $0x7FFFFFFF, v35  }
0x125: {  	vm0 =	vlt.s32 v32, v33  }
0x126: {  	v61 =	vlaneseq.u32;
	v33 =	vsel vm0, v32, v33  }
0x127: {  	s5 =	sadd.s32 $0x0, s3;
	v62 =	vand.u32 $0x7, v61;
	v32 =	vshll.u32 v33, $0x3  }
0x128: {  	v36 =	vmov s5;
	v60 =	vand.u32 $0xFFFFFC00, v32;
	v32 =	vmul.u32 $0x2000, v61  }
0x129: {  	v36 =	vshll.u32 v36, $0xD;
	v35 =	vmul.u32 $0x80, v62;
	v33 =	vand.u32 $0x7F, v33  }
0x12a: {  	v33 =	vor.u32 v60, v33;
	v63 =	vor.u32 v32, v36  }
0x12b: {  	s6 =	simm.s32 $0x0;
	v33 =	vor.u32 v35, v33;
	v34 =	vand.u32 $0x7FFF0000, v63  }
0x12c: {  	s5 =	simm.s32 $0x10;
	s6 =	sand.u32 $0x1F0, s6;
	v34 =	vadd.s32 v34, v33  }
.LBB2_7:
0x12d: {  	s7 =	sadd.s32 s5, s3  }
0x12e: {  	p0 =	sne.s32 s5, $0x1F0;
	[tilespmem:s6+$0x4030] =	vst v34;
	s6 =	smov.u32 s5;
	s5 =	sadd.s32 $0x10, s5  }
.Ltmp3:
0x12f: {  	v34 =	vmov s7;
	(pc) =	sbr.rel @p0 .LBB2_7-.Ltmp3, $4  }
0x130: {  	v34 =	vshll.u32 v34, $0xD  }
0x131: {  	v34 =	vor.u32 v32, v34  }
0x132: {  	v34 =	vand.u32 $0x7FFF0000, v34  }
0x133: {  	s6 =	sand.u32 $0x1F0, s6;
	v34 =	vadd.s32 v34, v33  }
0x134: {  	[tilespmem:s6+$0x4030] =	vst v34;
	s5 =	simm.s32 $0x80;
	s21 =	simm.s32 $0x4030;
	s7 =	simm.s32 $0x4230  }
0x135: {  	[tilespmem:s7], [sflag:$0x2] =	stream.indirect.gather [hbm4b:s4+s5], $0x1, s21, s5, $0xb8;
	[tilespmem:$0x4870] =	vst v63  }
0x136: {  	s22 =	simm.s32 $0x40B0;
	s23 =	simm.s32 $0x42B0  }
0x137: {  	[tilespmem:s23], [sflag:$0x2] =	stream.indirect.gather [hbm4b:s4+s5], $0x1, s22, s5, $0xb8;
	[tilespmem:$0x4870] =	vst v63  }
0x138: {  	s24 =	simm.s32 $0x4130;
	s25 =	simm.s32 $0x4330  }
0x139: {  	[tilespmem:s25], [sflag:$0x2] =	stream.indirect.gather [hbm4b:s4+s5], $0x1, s24, s5, $0xb8;
	[tilespmem:$0x4870] =	vst v63  }
0x13a: {  	s26 =	simm.s32 $0x41B0;
	s28 =	simm.s32 $0x43B0;
	s29 =	simm.s32 $0x2  }
0x13b: {  	[tilespmem:s28], [sflag:$0x2] =	stream.indirect.gather [hbm4b:s4+s5], $0x1, s26, s5, $0xb8;
	[tilespmem:$0x4870] =	vst v63  }
0x13c: {  	_ =	swait.ge [sflag:s29], $0x80  }
0x13d: {  	[sflag:s29] =	ssyncset.done $0x0  }
0x13e: {  	[sflag:s29] =	ssyncadd.s32 $0xFFFFFF80  }
0x13f: {  	_ =	swait.ge [sflag:s29], $0x80  }
0x140: {  	[sflag:s29] =	ssyncset.done $0x0  }
0x141: {  	[sflag:s29] =	ssyncadd.s32 $0xFFFFFF80  }
0x142: {  	_ =	swait.ge [sflag:s29], $0x80  }
0x143: {  	[sflag:s29] =	ssyncset.done $0x0  }
0x144: {  	[sflag:s29] =	ssyncadd.s32 $0xFFFFFF80  }
0x145: {  	_ =	swait.ge [sflag:s29], $0x80  }
0x146: {  	s5 =	simm.s32 $0x0;
	[sflag:s29] =	ssyncset.done $0x0  }
0x147: {  	s30 =	sand.u32 $0x1F0, s5;
	[sflag:s29] =	ssyncadd.s32 $0xFFFFFF80  }
0x148: {  	v33 =	vld [tilespmem:s30+$0x4230]  }
0x149: {  	v32 =	vld [tilespmem:$0x4020];
	_ =	sdelay $0x3  }
0x14a: {  	vm0 =	vle.f32 v33, $5.000000000e-01  }
0x14b: {  	s6 =	simm.s32 $0x4430;
	s31 =	simm.s32 $0x10;
	v33 =	vnsel vm0, $0x0, v32  }
0x14c: {  	s8 =	sand.u32 $0x1F0, s31;
	s7 =	simm.s32 $0x20;
	s4 =	simm.s32 $0x4430;
	[tilespmem:s6+$0x0] =	vst v33  }
.LBB2_9:
0x14d: {  	p0 =	sne.s32 s7, $0x1F0;
	v33 =	vld [tilespmem:s8+$0x4230];
	_ =	sdelay $0x2  }
.Ltmp4:
0x14e: {  	(pc) =	sbr.rel @p0 .LBB2_9-.Ltmp4, $4  }
0x14f: {  	_ = 	snop  }
0x150: {  	vm0 =	vle.f32 v33, $5.000000000e-01  }
0x151: {  	s4 =	sadd.s32 $0x10, s4;
	v33 =	vnsel vm0, $0x0, v32  }
0x152: {  	s8 =	sand.u32 $0x1F0, s7;
	s7 =	sadd.s32 $0x10, s7;
	[tilespmem:s4+$0x0] =	vst v33  }
0x153: {  	v33 =	vld [tilespmem:s8+$0x4230];
	_ =	sdelay $0x4  }
0x154: {  	vm0 =	vle.f32 v33, $5.000000000e-01  }
0x155: {  	s4 =	sadd.s32 $0x10, s4;
	v32 =	vnsel vm0, $0x0, v32  }
0x156: {  	s31 =	sand.u32 $0xC00, s5;
	s7 =	sand.u32 $0x70, s5;
	[tilespmem:s4+$0x0] =	vst v32  }
0x157: {  	s4 =	sor.u32 s7, s31;
	v32 =	vld [tilespmem:s6+$0x0]  }
0x158: {  	v53 =	vld [tilespmem:s4+$0x3380]  }
0x159: {  	v34 =	vld [tilespmem:s4+$0x3300]  }
0x15a: {  	v35 =	vld [tilespmem:s4+$0x3280]  }
0x15b: {  	v36 =	vld [tilespmem:s4+$0x3200]  }
0x15c: {  	v37 =	vld [tilespmem:s4+$0x3180]  }
0x15d: {  	v38 =	vld [tilespmem:s4+$0x3100]  }
0x15e: {  	v40 =	vld [tilespmem:s4+$0x3080]  }
0x15f: {  	v42 =	vld [tilespmem:s4+$0x3000];
	v39 =	vsub.f32 v31, v53  }
0x160: {  	v44 =	vld [tilespmem:s4+$0x2380];
	v41 =	vsub.f32 v30, v34  }
0x161: {  	v46 =	vld [tilespmem:s4+$0x2300];
	v43 =	vsub.f32 v29, v35;
	v45 =	vsub.f32 v28, v36;
	v39 =	vmul.f32 v39, v32  }
0x162: {  	v55 =	vld [tilespmem:s4+$0x2200];
	v47 =	vsub.f32 v27, v37;
	v48 =	vsub.f32 v26, v38;
	v41 =	vmul.f32 v41, v32  }
0x163: {  	v49 =	vsub.f32 v25, v40;
	v43 =	vmul.f32 v43, v32;
	v33 =	vadd.f32 v39, v53  }
0x164: {  	v54 =	vld [tilespmem:s4+$0x2280];
	v56 =	vsub.f32 v24, v42;
	v45 =	vmul.f32 v45, v32;
	v34 =	vadd.f32 v41, v34  }
0x165: {  	v57 =	vsub.f32 v23, v44;
	v47 =	vmul.f32 v47, v32;
	v35 =	vadd.f32 v43, v35;
	[tilespmem:s4+$0x3380] =	vst v33  }
0x166: {  	v60 =	vld [tilespmem:s4+$0x1380];
	v58 =	vsub.f32 v22, v46;
	v48 =	vmul.f32 v48, v32;
	v36 =	vadd.f32 v45, v36;
	[tilespmem:s4+$0x3300] =	vst v34  }
0x167: {  	v61 =	vsub.f32 v20, v55;
	v49 =	vmul.f32 v49, v32;
	v43 =	vld [tilespmem:s4+$0x2180];
	v37 =	vadd.f32 v47, v37;
	[tilespmem:s4+$0x3280] =	vst v35  }
0x168: {  	v45 =	vld [tilespmem:s4+$0x2100];
	v38 =	vadd.f32 v48, v38;
	v33 =	vmul.f32 v56, v32;
	[tilespmem:s4+$0x3200] =	vst v36;
	v34 =	vmul.f32 v57, v32  }
0x169: {  	v59 =	vsub.f32 v21, v54;
	v47 =	vld [tilespmem:s4+$0x2080];
	v40 =	vadd.f32 v49, v40;
	[tilespmem:s4+$0x3180] =	vst v37;
	v37 =	vmul.f32 v61, v32  }
0x16a: {  	v48 =	vld [tilespmem:s4+$0x2000];
	v35 =	vmul.f32 v58, v32;
	[tilespmem:s4+$0x3100] =	vst v38;
	v33 =	vadd.f32 v33, v42;
	v34 =	vadd.f32 v34, v44  }
0x16b: {  	v36 =	vmul.f32 v59, v32;
	[tilespmem:s4+$0x3080] =	vst v40;
	v40 =	vld [tilespmem:s4+$0x1280];
	v37 =	vadd.f32 v37, v55;
	v55 =	vsub.f32 v15, v60  }
0x16c: {  	v42 =	vld [tilespmem:s4+$0x1300];
	v35 =	vadd.f32 v35, v46;
	v62 =	vsub.f32 v19, v43;
	[tilespmem:s4+$0x3000] =	vst v33  }
0x16d: {  	v46 =	vld [tilespmem:s4+$0x1200];
	v36 =	vadd.f32 v36, v54;
	v63 =	vsub.f32 v18, v45;
	[tilespmem:s4+$0x2380] =	vst v34;
	v41 =	vmul.f32 v55, v32  }
0x16e: {  	v51 =	vld [tilespmem:s4+$0x1180];
	v50 =	vsub.f32 v17, v47;
	[tilespmem:s4+$0x2300] =	vst v35;
	v38 =	vmul.f32 v62, v32  }
0x16f: {  	v54 =	vsub.f32 v16, v48;
	v33 =	vld [tilespmem:s4+$0x1100];
	[tilespmem:s4+$0x2280] =	vst v36;
	v44 =	vmul.f32 v63, v32;
	v41 =	vadd.f32 v41, v60  }
0x170: {  	v34 =	vld [tilespmem:s4+$0x1080];
	[tilespmem:s4+$0x2200] =	vst v37;
	v50 =	vmul.f32 v50, v32;
	v57 =	vsub.f32 v13, v40;
	v38 =	vadd.f32 v38, v43  }
0x171: {  	v35 =	vld [tilespmem:s4+$0x1000];
	v39 =	vmul.f32 v54, v32;
	v56 =	vsub.f32 v14, v42;
	v44 =	vadd.f32 v44, v45;
	[tilespmem:s4+$0x1380] =	vst v41  }
0x172: {  	v36 =	vld [tilespmem:s4+$0x380];
	v47 =	vadd.f32 v50, v47;
	v58 =	vsub.f32 v12, v46;
	v45 =	vmul.f32 v57, v32;
	[tilespmem:s4+$0x2180] =	vst v38  }
0x173: {  	v59 =	vsub.f32 v11, v51;
	v37 =	vld [tilespmem:s4+$0x300];
	v39 =	vadd.f32 v39, v48;
	v43 =	vmul.f32 v56, v32;
	[tilespmem:s4+$0x2100] =	vst v44  }
0x174: {  	[tilespmem:s4+$0x2080] =	vst v47;
	v38 =	vld [tilespmem:s4+$0x280];
	v60 =	vsub.f32 v10, v33;
	v61 =	vmul.f32 v58, v32;
	v53 =	vadd.f32 v45, v40  }
0x175: {  	v52 =	vmul.f32 v59, v32;
	[tilespmem:s4+$0x2000] =	vst v39;
	v39 =	vld [tilespmem:s4+$0x200];
	v63 =	vsub.f32 v9, v34;
	v62 =	vadd.f32 v43, v42  }
0x176: {  	v40 =	vld [tilespmem:s4+$0x180];
	v42 =	vsub.f32 v8, v35;
	v43 =	vmul.f32 v60, v32;
	v44 =	vadd.f32 v61, v46;
	[tilespmem:s4+$0x1280] =	vst v53  }
0x177: {  	s7 =	simm.s32 $0x80;
	v41 =	vld [tilespmem:s4+$0x100];
	v45 =	vsub.f32 v7, v36;
	v47 =	vadd.f32 v52, v51;
	v46 =	vmul.f32 v63, v32;
	[tilespmem:s4+$0x1300] =	vst v62  }
.LBB2_11:
0x178: {  	p0 =	sne.s32 s7, $0xF80;
	v48 =	vld [tilespmem:s4+$0x80];
	v49 =	vsub.f32 v6, v37;
	v42 =	vmul.f32 v42, v32;
	v33 =	vadd.f32 v43, v33;
	[tilespmem:s4+$0x1200] =	vst v44  }
0x179: {  	v43 =	vld [tilespmem:s4+$0x0];
	v44 =	vsub.f32 v5, v38;
	v45 =	vmul.f32 v45, v32;
	v34 =	vadd.f32 v46, v34;
	[tilespmem:s4+$0x1180] =	vst v47  }
0x17a: {  	v46 =	vsub.f32 v4, v39;
	v47 =	vmul.f32 v49, v32;
	v35 =	vadd.f32 v42, v35;
	[tilespmem:s4+$0x1100] =	vst v33  }
0x17b: {  	v33 =	vsub.f32 v3, v40;
	v42 =	vmul.f32 v44, v32;
	v36 =	vadd.f32 v45, v36;
	[tilespmem:s4+$0x1080] =	vst v34  }
0x17c: {  	v34 =	vsub.f32 v2, v41;
	v44 =	vmul.f32 v46, v32;
	v37 =	vadd.f32 v47, v37;
	[tilespmem:s4+$0x1000] =	vst v35  }
0x17d: {  	v35 =	vsub.f32 v1, v48;
	v33 =	vmul.f32 v33, v32;
	v38 =	vadd.f32 v42, v38;
	[tilespmem:s4+$0x380] =	vst v36  }
0x17e: {  	v36 =	vsub.f32 v0, v43;
	v34 =	vmul.f32 v34, v32;
	v39 =	vadd.f32 v44, v39;
	[tilespmem:s4+$0x300] =	vst v37  }
0x17f: {  	v35 =	vmul.f32 v35, v32;
	v33 =	vadd.f32 v33, v40;
	[tilespmem:s4+$0x280] =	vst v38  }
0x180: {  	v32 =	vmul.f32 v36, v32;
	v34 =	vadd.f32 v34, v41;
	[tilespmem:s4+$0x200] =	vst v39  }
0x181: {  	v35 =	vadd.f32 v35, v48;
	[tilespmem:s4+$0x180] =	vst v33  }
0x182: {  	v32 =	vadd.f32 v32, v43;
	[tilespmem:s4+$0x100] =	vst v34  }
0x183: {  	s5 =	sadd.s32 $0x10, s5;
	[tilespmem:s4+$0x80] =	vst v35  }
0x184: {  	s8 =	sand.u32 $0xC00, s7;
	s6 =	sadd.s32 $0x10, s6;
	s9 =	sand.u32 $0x70, s5;
	[tilespmem:s4+$0x0] =	vst v32  }
0x185: {  	s4 =	sor.u32 s9, s8;
	v32 =	vld [tilespmem:s6+$0x0]  }
0x186: {  	v33 =	vld [tilespmem:s4+$0x3380]  }
0x187: {  	v34 =	vld [tilespmem:s4+$0x3300]  }
0x188: {  	v35 =	vld [tilespmem:s4+$0x3280]  }
0x189: {  	v36 =	vld [tilespmem:s4+$0x3200]  }
0x18a: {  	v37 =	vld [tilespmem:s4+$0x3180]  }
0x18b: {  	v38 =	vld [tilespmem:s4+$0x3100];
	v39 =	vsub.f32 v31, v33  }
0x18c: {  	v40 =	vld [tilespmem:s4+$0x3080];
	v41 =	vsub.f32 v30, v34  }
0x18d: {  	v42 =	vld [tilespmem:s4+$0x3000];
	v43 =	vsub.f32 v29, v35;
	v39 =	vmul.f32 v39, v32  }
0x18e: {  	v44 =	vld [tilespmem:s4+$0x2380];
	v45 =	vsub.f32 v28, v36;
	v41 =	vmul.f32 v41, v32  }
0x18f: {  	v46 =	vld [tilespmem:s4+$0x2300];
	v47 =	vsub.f32 v27, v37;
	v43 =	vmul.f32 v43, v32;
	v33 =	vadd.f32 v39, v33  }
0x190: {  	v39 =	vld [tilespmem:s4+$0x2280];
	v48 =	vsub.f32 v26, v38;
	v45 =	vmul.f32 v45, v32;
	v34 =	vadd.f32 v41, v34  }
0x191: {  	v41 =	vld [tilespmem:s4+$0x2200];
	v49 =	vsub.f32 v25, v40;
	v47 =	vmul.f32 v47, v32;
	v35 =	vadd.f32 v43, v35;
	[tilespmem:s4+$0x3380] =	vst v33  }
0x192: {  	v43 =	vld [tilespmem:s4+$0x2180];
	v33 =	vsub.f32 v24, v42;
	v48 =	vmul.f32 v48, v32;
	v36 =	vadd.f32 v45, v36;
	[tilespmem:s4+$0x3300] =	vst v34  }
0x193: {  	v45 =	vld [tilespmem:s4+$0x2100];
	v34 =	vsub.f32 v23, v44;
	v49 =	vmul.f32 v49, v32;
	v37 =	vadd.f32 v47, v37;
	[tilespmem:s4+$0x3280] =	vst v35  }
0x194: {  	v47 =	vld [tilespmem:s4+$0x2080];
	v35 =	vsub.f32 v22, v46;
	v33 =	vmul.f32 v33, v32;
	v38 =	vadd.f32 v48, v38;
	[tilespmem:s4+$0x3200] =	vst v36  }
0x195: {  	v48 =	vld [tilespmem:s4+$0x2000];
	v36 =	vsub.f32 v21, v39;
	v34 =	vmul.f32 v34, v32;
	v40 =	vadd.f32 v49, v40;
	[tilespmem:s4+$0x3180] =	vst v37  }
0x196: {  	v49 =	vld [tilespmem:s4+$0x1380];
	v37 =	vsub.f32 v20, v41;
	v35 =	vmul.f32 v35, v32;
	v33 =	vadd.f32 v33, v42;
	[tilespmem:s4+$0x3100] =	vst v38  }
0x197: {  	v42 =	vld [tilespmem:s4+$0x1300];
	v38 =	vsub.f32 v19, v43;
	v36 =	vmul.f32 v36, v32;
	v34 =	vadd.f32 v34, v44;
	[tilespmem:s4+$0x3080] =	vst v40  }
0x198: {  	v40 =	vld [tilespmem:s4+$0x1280];
	v44 =	vsub.f32 v18, v45;
	v37 =	vmul.f32 v37, v32;
	v35 =	vadd.f32 v35, v46;
	[tilespmem:s4+$0x3000] =	vst v33  }
0x199: {  	v46 =	vld [tilespmem:s4+$0x1200];
	v50 =	vsub.f32 v17, v47;
	v38 =	vmul.f32 v38, v32;
	v36 =	vadd.f32 v36, v39;
	[tilespmem:s4+$0x2380] =	vst v34  }
0x19a: {  	v51 =	vld [tilespmem:s4+$0x1180];
	v39 =	vsub.f32 v16, v48;
	v44 =	vmul.f32 v44, v32;
	v37 =	vadd.f32 v37, v41;
	[tilespmem:s4+$0x2300] =	vst v35  }
0x19b: {  	v33 =	vld [tilespmem:s4+$0x1100];
	v41 =	vsub.f32 v15, v49;
	v50 =	vmul.f32 v50, v32;
	v38 =	vadd.f32 v38, v43;
	[tilespmem:s4+$0x2280] =	vst v36  }
0x19c: {  	v34 =	vld [tilespmem:s4+$0x1080];
	v43 =	vsub.f32 v14, v42;
	v39 =	vmul.f32 v39, v32;
	v44 =	vadd.f32 v44, v45;
	[tilespmem:s4+$0x2200] =	vst v37  }
0x19d: {  	v35 =	vld [tilespmem:s4+$0x1000];
	v45 =	vsub.f32 v13, v40;
	v41 =	vmul.f32 v41, v32;
	v47 =	vadd.f32 v50, v47;
	[tilespmem:s4+$0x2180] =	vst v38  }
0x19e: {  	v36 =	vld [tilespmem:s4+$0x380];
	v50 =	vsub.f32 v12, v46;
	v43 =	vmul.f32 v43, v32;
	v39 =	vadd.f32 v39, v48;
	[tilespmem:s4+$0x2100] =	vst v44  }
.Ltmp5:
0x19f: {  	v37 =	vld [tilespmem:s4+$0x300];
	v44 =	vsub.f32 v11, v51;
	v45 =	vmul.f32 v45, v32;
	v41 =	vadd.f32 v41, v49;
	[tilespmem:s4+$0x2080] =	vst v47;
	(pc) =	sbr.rel @p0 .LBB2_11-.Ltmp5, $4  }
0x1a0: {  	v38 =	vld [tilespmem:s4+$0x280];
	v47 =	vsub.f32 v10, v33;
	v48 =	vmul.f32 v50, v32;
	v49 =	vadd.f32 v43, v42;
	[tilespmem:s4+$0x2000] =	vst v39  }
0x1a1: {  	v39 =	vld [tilespmem:s4+$0x200];
	v50 =	vsub.f32 v9, v34;
	v52 =	vmul.f32 v44, v32;
	v53 =	vadd.f32 v45, v40;
	[tilespmem:s4+$0x1380] =	vst v41  }
0x1a2: {  	v40 =	vld [tilespmem:s4+$0x180];
	v42 =	vsub.f32 v8, v35;
	v43 =	vmul.f32 v47, v32;
	v44 =	vadd.f32 v48, v46;
	[tilespmem:s4+$0x1300] =	vst v49  }
0x1a3: {  	s7 =	sadd.s32 $0x80, s7;
	v41 =	vld [tilespmem:s4+$0x100];
	v45 =	vsub.f32 v7, v36;
	v46 =	vmul.f32 v50, v32;
	v47 =	vadd.f32 v52, v51;
	[tilespmem:s4+$0x1280] =	vst v53  }
0x1a4: {  	v7 =	vld [tilespmem:s4+$0x80];
	v6 =	vsub.f32 v6, v37;
	v8 =	vmul.f32 v42, v32;
	v9 =	vadd.f32 v43, v33;
	[tilespmem:s4+$0x1200] =	vst v44  }
0x1a5: {  	v10 =	vld [tilespmem:s4+$0x0];
	v5 =	vsub.f32 v5, v38;
	v11 =	vmul.f32 v45, v32;
	v12 =	vadd.f32 v46, v34;
	[tilespmem:s4+$0x1180] =	vst v47  }
0x1a6: {  	v4 =	vsub.f32 v4, v39;
	v6 =	vmul.f32 v6, v32;
	v8 =	vadd.f32 v8, v35;
	[tilespmem:s4+$0x1100] =	vst v9  }
0x1a7: {  	v3 =	vsub.f32 v3, v40;
	v5 =	vmul.f32 v5, v32;
	v63 =	vadd.f32 v11, v36;
	[tilespmem:s4+$0x1080] =	vst v12  }
0x1a8: {  	v2 =	vsub.f32 v2, v41;
	v4 =	vmul.f32 v4, v32;
	v6 =	vadd.f32 v6, v37;
	[tilespmem:s4+$0x1000] =	vst v8  }
0x1a9: {  	v1 =	vsub.f32 v1, v7;
	v3 =	vmul.f32 v3, v32;
	v5 =	vadd.f32 v5, v38;
	[tilespmem:s4+$0x380] =	vst v63  }
0x1aa: {  	v0 =	vsub.f32 v0, v10;
	v2 =	vmul.f32 v2, v32;
	v4 =	vadd.f32 v4, v39;
	[tilespmem:s4+$0x300] =	vst v6  }
0x1ab: {  	v1 =	vmul.f32 v1, v32;
	v3 =	vadd.f32 v3, v40;
	[tilespmem:s4+$0x280] =	vst v5  }
0x1ac: {  	v0 =	vmul.f32 v0, v32;
	v2 =	vadd.f32 v2, v41;
	[tilespmem:s4+$0x200] =	vst v4  }
0x1ad: {  	s5 =	simm.s32 $0x0;
	v1 =	vadd.f32 v1, v7;
	[tilespmem:s4+$0x180] =	vst v3  }
0x1ae: {  	s6 =	sand.u32 $0x6000, s5;
	s7 =	sand.u32 $0x180, s5;
	v0 =	vadd.f32 v0, v10;
	[tilespmem:s4+$0x100] =	vst v2  }
0x1af: {  	s2 =	sadd.s32 s2, s3;
	s31 =	sor.u32 s6, s7;
	[tilespmem:s4+$0x80] =	vst v1  }
0x1b0: {  	s3 =	sadd.s32 s31, s2;
	[tilespmem:s4+$0x0] =	vst v0  }
0x1b1: {  	[hbm4b:s3+s5] =	stream.linear.scatter [tilespmem:s5], [sflag:$0x1], $0x400, $0x38;
	[tilespmem:$0x4870] =	vst v63  }
0x1b2: {  	s6 =	simm.s32 $0x0;
	s4 =	simm.s32 $0x0;
	s3 =	simm.s32 $0x800  }
.LBB2_13:
0x1b3: {  	p0 =	sne.s32 s3, $0x7800  }
.Ltmp6:
0x1b4: {  	s7 =	sand.u32 $0x6000, s3;
	s4 =	sadd.s32 $0x80, s4;
	(pc) =	sbr.rel @p0 .LBB2_13-.Ltmp6, $4  }
0x1b5: {  	s3 =	sadd.s32 $0x800, s3;
	s8 =	sand.u32 $0x180, s4  }
0x1b6: {  	s7 =	sor.u32 s7, s8  }
0x1b7: {  	s6 =	sadd.s32 $0x400, s6;
	s7 =	sadd.s32 s7, s2  }
0x1b8: {  	[hbm4b:s7+s5] =	stream.linear.scatter [tilespmem:s6], [sflag:$0x1], $0x400, $0x38;
	[tilespmem:$0x4870] =	vst v63  }
0x1b9: {  	s2 =	simm.s32 $0x1  }
0x1ba: {  	_ =	swait.ge [sflag:s2], $0x4000  }
0x1bb: {  	[sflag:s2] =	ssyncset.done $0x0  }
0x1bc: {  	[sflag:s2] =	ssyncadd.s32 $0xFFFFC000  }
0x1bd: {  	_ =	sfence.sel $0x180000  }
0x1be: {  	[bflag:$0x0] =	sbarrier.arrive $0xFFFF  }
0x1bf: {  	p0 =	sne.s32 s1, $0x0;
	_ =	strace $0x90000047  }
0x1c0: {  	s0 =	sadd.s32 @!p0 $0x100000, s0;
	[bflag:$0x2] =	sbarrier.arrive $0xFFFF  }
0x1c1: {  	[sflag:s0] =	ssyncadd.tile.s32 @!p0 $0x1;
	_ =	shalt  }
.Lfunc_end2:
_tile_overlayer_lowered:
.L_overlay_start_2:
0x1c2: {  	(tag) =	ssettag $0x2  }
0x1c3: {  	s0 =	rddreg [dreg:$0x0];
	s2 =	stileid.u32  }
0x1c4: {  	s1 =	rddreg [dreg:$0x1];
	p0 =	sne.s32 s2, $0x0  }
0x1c5: {  	s3 =	rddreg [dreg:$0x2];
	[bflag:$0x3] =	sbarrier.arrive $0xFFFF;
	s2 =	simm.s32 @!p0 $0x1C03  }
0x1c6: {  	[timem:s3], [sflag:s2] =	dma.local @!p0 [hbm:s0], s1  }
0x1c7: {  	s0 =	simm.s32 @!p0 $0x3  }
0x1c8: {  	_ =	swait.ge @!p0 [sflag:s0], s1  }
0x1c9: {  	s1 =	ssub.s32 @!p0 $0x0, s1;
	[sflag:s0] =	ssyncset.done @!p0 $0x0  }
0x1ca: {  	[sflag:s0] =	ssyncadd.s32 @!p0 s1  }
0x1cb: {  	[bflag:$0x3] =	sbarrier.arrive $0xFFFF  }
0x1cc: {  	_ =	shalt  }

</sc_bundles>
